<compile_context>
chip_gen: v7x
topology: tpu7x:2x2x1
jax: 0.10.2.dev20260603
libtpu: 0.0.44.dev20260713+nightly
codegen_flags: <defaults>
</compile_context>

<pallas_src>
import functools

import jax
import jax.numpy as jnp
from jax import lax
from jax.experimental import pallas as pl
from jax.experimental.pallas import tpu as pltpu
from jax.experimental.pallas import tpu_sc as plsc

_NUM_CORES = 2
_NUM_SUBCORES = 16
_NW = _NUM_CORES * _NUM_SUBCORES

_NEG = -1e30


def _make_ell_body(grid, d):
    def _ell_body(ta_ref, tb_ref, w1_ref, b1_ref, wq_ref, out_ref, tabp_ref):
        ident = (lax.broadcasted_iota(jnp.int32, (d, d), 0)
                 == lax.broadcasted_iota(jnp.int32, (d, d), 1)
                 ).astype(jnp.float32)
        for half, (t_ref, row_off) in enumerate(((ta_ref, 0), (tb_ref, grid))):
            x = t_ref[...]
            z = (jax.lax.dot_general(
                    w1_ref[...], x, (((0,), (0,)), ((), ())),
                    preferred_element_type=jnp.float32)
                 + b1_ref[...])
            h = 1.0 / (1.0 + jnp.exp(-z))
            row = jax.lax.dot_general(
                wq_ref[...], h, (((0,), (0,)), ((), ())),
                preferred_element_type=jnp.float32)
            out_ref[pl.ds(pl.program_id(0) + row_off, 1), :] = row
            xt = jnp.transpose(x)
            tabp_ref[:, pl.ds(half * d, d)] = xt
    return _ell_body


def _compute_ell(table, W1, b1, wq):
    n, d = table.shape
    cols = 2048
    grid = pl.cdiv(n, 2 * cols)
    half_n = grid * cols
    last_blk = (n - 1) // cols
    tab_t = table.T
    ell, tabp = pl.pallas_call(
        _make_ell_body(grid, d),
        grid=(grid,),
        in_specs=[
            pl.BlockSpec((d, cols), lambda i: (0, i)),
            pl.BlockSpec((d, cols),
                         lambda i, g=grid, lb=last_blk: (0, jnp.minimum(i + g, lb))),
            pl.BlockSpec((d, d), lambda i: (0, 0)),
            pl.BlockSpec((d, 1), lambda i: (0, 0)),
            pl.BlockSpec((d, 1), lambda i: (0, 0)),
        ],
        out_specs=[
            pl.BlockSpec((2 * grid, cols), lambda i: (0, 0)),
            pl.BlockSpec((cols, 2 * d), lambda i: (i, 0)),
        ],
        out_shape=[
            jax.ShapeDtypeStruct((2 * grid, cols), jnp.float32),
            jax.ShapeDtypeStruct((half_n, 2 * d), jnp.float32),
        ],
    )(tab_t, tab_t, W1, b1.reshape(d, 1), wq)
    return ell, tabp, half_n


def _sc_pool(tabp, ell, idx, lens, nbask, seq, d, half_n):
    bpw = nbask // _NW
    mesh = plsc.VectorSubcoreMesh(
        core_axis_name="c", subcore_axis_name="s",
        num_cores=_NUM_CORES, num_subcores=_NUM_SUBCORES)

    @functools.partial(
        pl.kernel,
        out_type=jax.ShapeDtypeStruct((nbask, d), jnp.float32),
        mesh=mesh,
        compiler_params=pltpu.CompilerParams(
            needs_layout_passes=False, use_tc_tiling_on_sc=True),
        scratch_types=[
            pltpu.VMEM((bpw * seq + 16,), jnp.int32),
            pltpu.VMEM((bpw * seq,), jnp.int32),
            pltpu.VMEM((bpw + 16,), jnp.int32),
            pltpu.VMEM((2, seq), jnp.float32),
            pltpu.VMEM((2, seq, 128), jnp.float32),
            pltpu.VMEM((seq + 16,), jnp.float32),
            pltpu.VMEM((seq + 16,), jnp.int32),
            pltpu.VMEM((bpw, d), jnp.float32),
            pltpu.SemaphoreType.DMA,
            pltpu.SemaphoreType.DMA,
        ],
    )
    def body(tabp_hbm, ell_hbm, idx_hbm, len_hbm, out_hbm,
             idx_v, idxq_v, len_v, log_v, rows_v, alpha_v, off_v, out_v,
             sem0, sem1):
        wid = lax.axis_index("s") * _NUM_CORES + lax.axis_index("c")
        base = wid * bpw
        pltpu.sync_copy(idx_hbm.at[pl.ds(base * seq, bpw * seq)],
                        idx_v.at[pl.ds(0, bpw * seq)])
        pltpu.sync_copy(len_hbm.at[pl.ds(base, bpw)], len_v.at[pl.ds(0, bpw)])

        @pl.loop(0, bpw * seq // 16)
        def _(i):
            v = idx_v[pl.ds(i * 16, 16)]
            ge = (v >= half_n).astype(jnp.int32)
            idxq_v[pl.ds(i * 16, 16)] = v - ge * half_n

        sems = (sem0, sem1)
        rbufs = (rows_v.at[0], rows_v.at[1])
        lbufs = (log_v.at[0], log_v.at[1])

        def start(b, p):
            pltpu.async_copy(
                tabp_hbm.at[idxq_v.at[pl.ds(b * seq, seq)]], rbufs[p], sems[p])
            pltpu.async_copy(
                ell_hbm.at[idx_v.at[pl.ds(b * seq, seq)]], lbufs[p], sems[p])

        def wait(b, p):
            pltpu.make_async_copy(
                tabp_hbm.at[idxq_v.at[pl.ds(b * seq, seq)]], rbufs[p],
                sems[p]).wait()
            pltpu.make_async_copy(
                ell_hbm.at[idx_v.at[pl.ds(b * seq, seq)]], lbufs[p],
                sems[p]).wait()

        iota = lax.iota(jnp.int32, 16)

        def compute(b, p):
            ln = len_v[pl.ds(b, 16)][0]
            lref = lbufs[p]
            rref = rbufs[p]
            mls = []
            for k in range(4):
                lv = lref[pl.ds(k * 16, 16)]
                msk = (iota + (k * 16)) < ln
                mls.append(jnp.where(msk, lv, _NEG))
            mx = jnp.max(jnp.maximum(jnp.maximum(mls[0], mls[1]),
                                     jnp.maximum(mls[2], mls[3])))
            es = []
            for k in range(4):
                msk = (iota + (k * 16)) < ln
                e = jnp.where(msk, jnp.exp(mls[k] - mx), jnp.float32(0.0))
                es.append(e)
            den = jnp.sum(es[0] + es[1] + es[2] + es[3])
            denv = jnp.full((16,), den, jnp.float32)
            inv = 1.0 / jnp.maximum(denv, jnp.float32(1e-20))
            for k in range(4):
                alpha_v[pl.ds(k * 16, 16)] = es[k] * inv
                iv = idx_v[pl.ds(b * seq + k * 16, 16)]
                off_v[pl.ds(k * 16, 16)] = (iv >= half_n).astype(jnp.int32) * 64
            z = jnp.zeros((16,), jnp.float32)
            nch = (ln + 3) >> 2

            @plsc.parallel_loop(0, nch * 4, step=1, unroll=4,
                                carry=(z, z, z, z))
            def acc(l, carry):
                a0, a1, a2, a3 = carry
                al = alpha_v[pl.ds(l, 16)][0]
                h = off_v[pl.ds(l, 16)][0]
                a0 = a0 + al * rref[l, pl.ds(h, 16)]
                a1 = a1 + al * rref[l, pl.ds(h + 16, 16)]
                a2 = a2 + al * rref[l, pl.ds(h + 32, 16)]
                a3 = a3 + al * rref[l, pl.ds(h + 48, 16)]
                return (a0, a1, a2, a3)

            a0, a1, a2, a3 = acc
            out_v[b, pl.ds(0, 16)] = a0
            out_v[b, pl.ds(16, 16)] = a1
            out_v[b, pl.ds(32, 16)] = a2
            out_v[b, pl.ds(48, 16)] = a3

        start(0, 0)

        @pl.loop(0, bpw // 2)
        def _(i):
            b0 = i * 2
            b1 = b0 + 1
            start(b1, 1)
            wait(b0, 0)
            compute(b0, 0)
            nxt = jnp.minimum(b1 + 1, bpw - 1)
            start(nxt, 0)
            wait(b1, 1)
            compute(b1, 1)

        wait(bpw - 1, 0)
        pltpu.sync_copy(out_v, out_hbm.at[pl.ds(base, bpw)])

    return body(tabp, ell, idx, lens)


def kernel(inputs, length_data, table, W1, b1, wq, bq):
    del bq
    b, nb, seq = inputs.shape
    d = table.shape[1]
    nbask = b * nb
    ell2d, tabp, half_n = _compute_ell(table, W1, b1, wq)
    ell = ell2d.reshape(-1)
    idx = inputs.reshape(nbask * seq).astype(jnp.int32)
    lens = length_data.reshape(nbask).astype(jnp.int32)
    out = _sc_pool(tabp, ell, idx, lens, nbask, seq, d, half_n)
    return out.reshape(b, nb, d)

# --- scband reference (transcript-rebuilt; emitter-appended) ---
"""Pipeline reference for scband-item2-cpencoder-51719996178823 (READ-ONLY COPY).

The authoritative reference and input builder live on the scoring server;
editing this copy changes nothing except your own understanding.
"""

import jax, jax.numpy as jnp
import numpy as np

B, NB, L = 16, 128, 64
ITEM_N, D = 100000, 64

def setup_inputs(seed: int = 0) -> dict:
    key = jax.random.key(seed)
    k1, k2, k3, k4, k5 = jax.random.split(key, 5)
    inputs = jax.random.randint(k1, (B, NB, L), 0, ITEM_N)
    length_data = jax.random.randint(k2, (B, NB), 0, 65)
    table = jax.random.normal(k3, (ITEM_N, D), jnp.float32)
    W1 = jax.random.normal(k4, (D, D), jnp.float32) * (1.0 / np.sqrt(D))
    b1 = jnp.zeros((D,), jnp.float32)
    wq = jax.random.normal(k5, (D, 1), jnp.float32) * (1.0 / np.sqrt(D))
    bq = jnp.zeros((1,), jnp.float32)
    return {"inputs": inputs, "length_data": length_data, "table": table,
            "W1": W1, "b1": b1, "wq": wq, "bq": bq}

def reference(inputs, length_data, table, W1, b1, wq, bq):
    # inputs_emb = self.item_emb(inputs)  -> gather from embedding table
    emb = jnp.take(table, inputs, axis=0)                      # [B, NB, L, D]
    # alpha = vec_q(sigmoid(linear1(items)))
    s = jax.nn.sigmoid(jnp.einsum('bnld,de->bnle', emb, W1) + b1)
    logits = (jnp.einsum('bnld,do->bnlo', s, wq) + bq)[..., 0]  # [B, NB, L]
    # softmax over basket items, restricted to first `length` items (ragged)
    mask = jnp.arange(L)[None, None, :] < length_data[:, :, None]
    ml = jnp.where(mask, logits, jnp.float32(-1e30))
    mx = jnp.max(ml, axis=-1, keepdims=True)
    e = jnp.exp(ml - mx) * mask.astype(jnp.float32)
    denom = jnp.sum(e, axis=-1, keepdims=True)
    alpha = e / jnp.maximum(denom, 1e-20)                       # zero for empty baskets
    # res = sum(alpha * items, dim=0) per basket; stacked per user
    out = jnp.sum(alpha[..., None] * emb, axis=2)               # [B, NB, D]
    return out

if __name__ == "__main__":
    import jax
    _d = setup_inputs()
    print(jax.jit(kernel)(*tuple(_d.values())))

</pallas_src>

<mosaic_0001>
#map = affine_map<(d0, d1) -> (0, 0)>
#map1 = affine_map<(d0, d1) -> (0)>
module attributes {stable_mosaic.version = 14 : i64} {
  func.func @body(%arg0: i32, %arg1: i32, %arg2: memref<51200x128xf32, #tpu.memory_space<hbm>>, %arg3: memref<102400xf32, #tpu.memory_space<hbm>>, %arg4: memref<131072xi32, #tpu.memory_space<hbm>>, %arg5: memref<2048xi32, #tpu.memory_space<hbm>>, %arg6: memref<2048x64xf32, #tpu.memory_space<hbm>>, %arg7: memref<4112xi32, #tpu.memory_space<vmem>>, %arg8: memref<4096xi32, #tpu.memory_space<vmem>>, %arg9: memref<80xi32, #tpu.memory_space<vmem>>, %arg10: memref<2x64xf32, #tpu.memory_space<vmem>>, %arg11: memref<2x64x128xf32, #tpu.memory_space<vmem>>, %arg12: memref<80xf32, #tpu.memory_space<vmem>>, %arg13: memref<80xi32, #tpu.memory_space<vmem>>, %arg14: memref<64x64xf32, #tpu.memory_space<vmem>>, %arg15: memref<!tpu.dma_semaphore, #tpu.memory_space<semaphore_mem>>, %arg16: memref<!tpu.dma_semaphore, #tpu.memory_space<semaphore_mem>>) attributes {dimension_semantics = [#tpu.dimension_semantics<core_parallel>, #tpu.dimension_semantics<subcore_parallel>], iteration_bounds = array<i64: 2, 16>, scalar_prefetch = 0 : i64, scratch_operands = 10 : i64, tpu.core_type = #tpu.core_type<sc_vector_subcore>, window_params = [{transform_indices = #map}, {transform_indices = #map1}, {transform_indices = #map1}, {transform_indices = #map1}, {transform_indices = #map}]} {
    %mul3A = arith.constant 2 : i32
    %mul3A_0 = arith.muli %arg1, %mul3A : i32
    %add3A = arith.addi %mul3A_0, %arg0 : i32
    %mul3A_1 = arith.constant 64 : i32
    %mul3A_2 = arith.muli %add3A, %mul3A_1 : i32
    %mul3A_3 = arith.constant 64 : i32
    %mul3A_4 = arith.muli %mul3A_2, %mul3A_3 : i32
    "tpu.region"() ({
      %run_scoped3A = tpu.sem_alloc : memref<!tpu.dma_semaphore, #tpu.memory_space<semaphore_mem>>
      %dma_start3A_52 = arith.constant 0 : i32
      %dma_start3A_53 = tpu.memref_slice %arg7[%dma_start3A_52] : memref<4112xi32, #tpu.memory_space<vmem>> -> memref<4096xi32, #tpu.memory_space<vmem>>
      %dma_start3A_54 = tpu.memref_slice %arg4[%mul3A_4] : memref<131072xi32, #tpu.memory_space<hbm>> -> memref<4096xi32, #tpu.memory_space<hbm>>
      %dma_start3A_55 = arith.constant 0 : i32
      %dma_start3A_56 = tpu.memref_slice %arg7[%dma_start3A_55] : memref<4112xi32, #tpu.memory_space<vmem>> -> memref<4096xi32, #tpu.memory_space<vmem>>
      %dma_start3A_57 = tpu.memref_slice %arg4[%mul3A_4] : memref<131072xi32, #tpu.memory_space<hbm>> -> memref<4096xi32, #tpu.memory_space<hbm>>
      tpu.enqueue_dma source(%dma_start3A_57 : memref<4096xi32, #tpu.memory_space<hbm>>) target(%dma_start3A_56 : memref<4096xi32, #tpu.memory_space<vmem>>) target_semaphore(%run_scoped3A : memref<!tpu.dma_semaphore, #tpu.memory_space<semaphore_mem>>)
      %dma_wait3A_58 = arith.constant 0 : i32
      %dma_wait3A_59 = tpu.memref_slice %arg7[%dma_wait3A_58] : memref<4112xi32, #tpu.memory_space<vmem>> -> memref<4096xi32, #tpu.memory_space<vmem>>
      %dma_wait3A_60 = tpu.memref_slice %arg4[%mul3A_4] : memref<131072xi32, #tpu.memory_space<hbm>> -> memref<4096xi32, #tpu.memory_space<hbm>>
      %dma_wait3A_61 = arith.constant 0 : i32
      %dma_wait3A_62 = tpu.memref_slice %arg7[%dma_wait3A_61] : memref<4112xi32, #tpu.memory_space<vmem>> -> memref<4096xi32, #tpu.memory_space<vmem>>
      %dma_wait3A_63 = tpu.memref_slice %arg4[%mul3A_4] : memref<131072xi32, #tpu.memory_space<hbm>> -> memref<4096xi32, #tpu.memory_space<hbm>>
      tpu.wait_dma2 semaphore(%run_scoped3A : memref<!tpu.dma_semaphore, #tpu.memory_space<semaphore_mem>>) src(%dma_wait3A_63 : memref<4096xi32, #tpu.memory_space<hbm>>) dst(%dma_wait3A_62 : memref<4096xi32, #tpu.memory_space<vmem>>)
      tpu.yield
    }) : () -> ()
    "tpu.region"() ({
      %run_scoped3A = tpu.sem_alloc : memref<!tpu.dma_semaphore, #tpu.memory_space<semaphore_mem>>
      %dma_start3A_52 = arith.constant 0 : i32
      %dma_start3A_53 = tpu.memref_slice %arg9[%dma_start3A_52] : memref<80xi32, #tpu.memory_space<vmem>> -> memref<64xi32, #tpu.memory_space<vmem>>
      %dma_start3A_54 = tpu.memref_slice %arg5[%mul3A_2] : memref<2048xi32, #tpu.memory_space<hbm>> -> memref<64xi32, #tpu.memory_space<hbm>>
      %dma_start3A_55 = arith.constant 0 : i32
      %dma_start3A_56 = tpu.memref_slice %arg9[%dma_start3A_55] : memref<80xi32, #tpu.memory_space<vmem>> -> memref<64xi32, #tpu.memory_space<vmem>>
      %dma_start3A_57 = tpu.memref_slice %arg5[%mul3A_2] : memref<2048xi32, #tpu.memory_space<hbm>> -> memref<64xi32, #tpu.memory_space<hbm>>
      tpu.enqueue_dma source(%dma_start3A_57 : memref<64xi32, #tpu.memory_space<hbm>>) target(%dma_start3A_56 : memref<64xi32, #tpu.memory_space<vmem>>) target_semaphore(%run_scoped3A : memref<!tpu.dma_semaphore, #tpu.memory_space<semaphore_mem>>)
      %dma_wait3A_58 = arith.constant 0 : i32
      %dma_wait3A_59 = tpu.memref_slice %arg9[%dma_wait3A_58] : memref<80xi32, #tpu.memory_space<vmem>> -> memref<64xi32, #tpu.memory_space<vmem>>
      %dma_wait3A_60 = tpu.memref_slice %arg5[%mul3A_2] : memref<2048xi32, #tpu.memory_space<hbm>> -> memref<64xi32, #tpu.memory_space<hbm>>
      %dma_wait3A_61 = arith.constant 0 : i32
      %dma_wait3A_62 = tpu.memref_slice %arg9[%dma_wait3A_61] : memref<80xi32, #tpu.memory_space<vmem>> -> memref<64xi32, #tpu.memory_space<vmem>>
      %dma_wait3A_63 = tpu.memref_slice %arg5[%mul3A_2] : memref<2048xi32, #tpu.memory_space<hbm>> -> memref<64xi32, #tpu.memory_space<hbm>>
      tpu.wait_dma2 semaphore(%run_scoped3A : memref<!tpu.dma_semaphore, #tpu.memory_space<semaphore_mem>>) src(%dma_wait3A_63 : memref<64xi32, #tpu.memory_space<hbm>>) dst(%dma_wait3A_62 : memref<64xi32, #tpu.memory_space<vmem>>)
      tpu.yield
    }) : () -> ()
    %scan3A = arith.constant 0 : i32
    %scan3A_5 = arith.constant 256 : i32
    %scan3A_6 = arith.addi %scan3A, %scan3A_5 : i32
    %scan3A_7 = arith.constant 1 : i32
    scf.for %scan3A_52 = %scan3A to %scan3A_6 step %scan3A_7  : i32 {
      %mul3A_53 = arith.constant 1 : i32
      %mul3A_54 = arith.muli %scan3A_52, %mul3A_53 : i32
      %add3A_55 = arith.constant 0 : i32
      %add3A_56 = arith.addi %add3A_55, %mul3A_54 : i32
      %mul3A_57 = arith.constant 16 : i32
      %mul3A_58 = arith.muli %add3A_56, %mul3A_57 : i32
      %get3A = arith.index_cast %mul3A_58 : i32 to index
      %get3A_59 = tpu.vector_load %arg7[%get3A] {strides = array<i32>} : memref<4112xi32, #tpu.memory_space<vmem>>, vector<16xi32>,
      %ge3A = arith.constant 51200 : i32
      %ge3A_60 = vector.broadcast %ge3A : i32 to vector<16xi32>
      %ge3A_61 = arith.cmpi sge, %get3A_59, %ge3A_60 : vector<16xi32>
      %convert_element_type3A = arith.extui %ge3A_61 : vector<16xi1> to vector<16xi32>
      %mul3A_62 = arith.constant 51200 : i32
      %mul3A_63 = vector.broadcast %mul3A_62 : i32 to vector<16xi32>
      %mul3A_64 = arith.muli %convert_element_type3A, %mul3A_63 : vector<16xi32>
      %sub3A = arith.subi %get3A_59, %mul3A_64 : vector<16xi32>
      %mul3A_65 = arith.constant 16 : i32
      %mul3A_66 = arith.muli %add3A_56, %mul3A_65 : i32
      %swap3A = arith.index_cast %mul3A_66 : i32 to index
      %swap3A_67 = tpu.vector_load %arg8[%swap3A] {strides = array<i32>} : memref<4096xi32, #tpu.memory_space<vmem>>, vector<16xi32>,
      tpu.vector_store %arg8[%swap3A], %sub3A {strides = array<i32>} : memref<4096xi32, #tpu.memory_space<vmem>>, vector<16xi32>,
    }
    %scan3A_8 = arith.constant 256 : i32
    %iota3A = tpu.iota {dimensions = array<i32: 0>} : vector<16xi32>
    %dma_start3A = arith.constant 0 : i32
    %dma_start3A_9 = arith.constant 0 : i32
    %dma_start3A_10 = arith.constant 0 : i32
    %dma_start3A_11 = tpu.memref_slice %arg11[%dma_start3A, %dma_start3A_9, %dma_start3A_10] : memref<2x64x128xf32, #tpu.memory_space<vmem>> -> memref<1x64x128xf32, #tpu.memory_space<vmem>>
    %dma_start3A_12 = tpu.memref_squeeze %dma_start3A_11 : memref<1x64x128xf32, #tpu.memory_space<vmem>> -> memref<64x128xf32, #tpu.memory_space<vmem>>
    %dma_start3A_13 = arith.constant 0 : i32
    %dma_start3A_14 = tpu.memref_slice %arg8[%dma_start3A_13] : memref<4096xi32, #tpu.memory_space<vmem>> -> memref<64xi32, #tpu.memory_space<vmem>>
    %dma_start3A_15 = arith.constant 0 : i32
    %dma_start3A_16 = arith.constant 0 : i32
    %dma_start3A_17 = tpu.memref_slice %arg2[%dma_start3A_15, %dma_start3A_16] : memref<51200x128xf32, #tpu.memory_space<hbm>> -> memref<51200x128xf32, #tpu.memory_space<hbm>>
    tpu.enqueue_indirect_dma source(%dma_start3A_17 : memref<51200x128xf32, #tpu.memory_space<hbm>>) target(%dma_start3A_12 : memref<64x128xf32, #tpu.memory_space<vmem>>) offsets(%dma_start3A_14 : memref<64xi32, #tpu.memory_space<vmem>>) semaphore(%arg15 : memref<!tpu.dma_semaphore, #tpu.memory_space<semaphore_mem>>)
    %dma_start3A_18 = arith.constant 0 : i32
    %dma_start3A_19 = arith.constant 0 : i32
    %dma_start3A_20 = tpu.memref_slice %arg10[%dma_start3A_18, %dma_start3A_19] : memref<2x64xf32, #tpu.memory_space<vmem>> -> memref<1x64xf32, #tpu.memory_space<vmem>>
    %dma_start3A_21 = tpu.memref_squeeze %dma_start3A_20 : memref<1x64xf32, #tpu.memory_space<vmem>> -> memref<64xf32, #tpu.memory_space<vmem>>
    %dma_start3A_22 = arith.constant 0 : i32
    %dma_start3A_23 = tpu.memref_slice %arg7[%dma_start3A_22] : memref<4112xi32, #tpu.memory_space<vmem>> -> memref<64xi32, #tpu.memory_space<vmem>>
    %dma_start3A_24 = arith.constant 0 : i32
    %dma_start3A_25 = tpu.memref_slice %arg3[%dma_start3A_24] : memref<102400xf32, #tpu.memory_space<hbm>> -> memref<102400xf32, #tpu.memory_space<hbm>>
    tpu.enqueue_indirect_dma source(%dma_start3A_25 : memref<102400xf32, #tpu.memory_space<hbm>>) target(%dma_start3A_21 : memref<64xf32, #tpu.memory_space<vmem>>) offsets(%dma_start3A_23 : memref<64xi32, #tpu.memory_space<vmem>>) semaphore(%arg15 : memref<!tpu.dma_semaphore, #tpu.memory_space<semaphore_mem>>)
    %scan3A_26 = arith.constant 1 : i32
    %scan3A_27 = arith.constant 1 : i32
    %scan3A_28 = arith.constant 0 : i32
    %scan3A_29 = arith.constant 0 : i32
    %scan3A_30 = arith.constant 0 : i32
    %scan3A_31 = arith.constant 32 : i32
    %scan3A_32 = arith.addi %scan3A_30, %scan3A_31 : i32
    %scan3A_33 = arith.constant 1 : i32
    scf.for %scan3A_52 = %scan3A_30 to %scan3A_32 step %scan3A_33  : i32 {
      %mul3A_53 = arith.constant 1 : i32
      %mul3A_54 = arith.muli %scan3A_52, %mul3A_53 : i32
      %add3A_55 = arith.constant 0 : i32
      %add3A_56 = arith.addi %add3A_55, %mul3A_54 : i32
      %mul3A_57 = arith.constant 2 : i32
      %mul3A_58 = arith.muli %add3A_56, %mul3A_57 : i32
      %add3A_59 = arith.constant 1 : i32
      %add3A_60 = arith.addi %mul3A_58, %add3A_59 : i32
      %mul3A_61 = arith.constant 64 : i32
      %mul3A_62 = arith.muli %add3A_60, %mul3A_61 : i32
      %dma_start3A_63 = arith.constant 0 : i32
      %dma_start3A_64 = arith.constant 0 : i32
      %dma_start3A_65 = tpu.memref_slice %arg11[%scan3A_26, %dma_start3A_63, %dma_start3A_64] : memref<2x64x128xf32, #tpu.memory_space<vmem>> -> memref<1x64x128xf32, #tpu.memory_space<vmem>>
      %dma_start3A_66 = tpu.memref_squeeze %dma_start3A_65 : memref<1x64x128xf32, #tpu.memory_space<vmem>> -> memref<64x128xf32, #tpu.memory_space<vmem>>
      %dma_start3A_67 = tpu.memref_slice %arg8[%mul3A_62] : memref<4096xi32, #tpu.memory_space<vmem>> -> memref<64xi32, #tpu.memory_space<vmem>>
      %dma_start3A_68 = arith.constant 0 : i32
      %dma_start3A_69 = arith.constant 0 : i32
      %dma_start3A_70 = tpu.memref_slice %arg2[%dma_start3A_68, %dma_start3A_69] : memref<51200x128xf32, #tpu.memory_space<hbm>> -> memref<51200x128xf32, #tpu.memory_space<hbm>>
      tpu.enqueue_indirect_dma source(%dma_start3A_70 : memref<51200x128xf32, #tpu.memory_space<hbm>>) target(%dma_start3A_66 : memref<64x128xf32, #tpu.memory_space<vmem>>) offsets(%dma_start3A_67 : memref<64xi32, #tpu.memory_space<vmem>>) semaphore(%arg16 : memref<!tpu.dma_semaphore, #tpu.memory_space<semaphore_mem>>)
      %mul3A_71 = arith.constant 64 : i32
      %mul3A_72 = arith.muli %add3A_60, %mul3A_71 : i32
      %dma_start3A_73 = arith.constant 0 : i32
      %dma_start3A_74 = tpu.memref_slice %arg10[%scan3A_27, %dma_start3A_73] : memref<2x64xf32, #tpu.memory_space<vmem>> -> memref<1x64xf32, #tpu.memory_space<vmem>>
      %dma_start3A_75 = tpu.memref_squeeze %dma_start3A_74 : memref<1x64xf32, #tpu.memory_space<vmem>> -> memref<64xf32, #tpu.memory_space<vmem>>
      %dma_start3A_76 = tpu.memref_slice %arg7[%mul3A_72] : memref<4112xi32, #tpu.memory_space<vmem>> -> memref<64xi32, #tpu.memory_space<vmem>>
      %dma_start3A_77 = arith.constant 0 : i32
      %dma_start3A_78 = tpu.memref_slice %arg3[%dma_start3A_77] : memref<102400xf32, #tpu.memory_space<hbm>> -> memref<102400xf32, #tpu.memory_space<hbm>>
      tpu.enqueue_indirect_dma source(%dma_start3A_78 : memref<102400xf32, #tpu.memory_space<hbm>>) target(%dma_start3A_75 : memref<64xf32, #tpu.memory_space<vmem>>) offsets(%dma_start3A_76 : memref<64xi32, #tpu.memory_space<vmem>>) semaphore(%arg16 : memref<!tpu.dma_semaphore, #tpu.memory_space<semaphore_mem>>)
      %mul3A_79 = arith.constant 64 : i32
      %mul3A_80 = arith.muli %mul3A_58, %mul3A_79 : i32
      %dma_wait3A_81 = arith.constant 0 : i32
      %dma_wait3A_82 = arith.constant 0 : i32
      %dma_wait3A_83 = tpu.memref_slice %arg11[%scan3A_28, %dma_wait3A_81, %dma_wait3A_82] : memref<2x64x128xf32, #tpu.memory_space<vmem>> -> memref<1x64x128xf32, #tpu.memory_space<vmem>>
      %dma_wait3A_84 = tpu.memref_squeeze %dma_wait3A_83 : memref<1x64x128xf32, #tpu.memory_space<vmem>> -> memref<64x128xf32, #tpu.memory_space<vmem>>
      %dma_wait3A_85 = tpu.memref_slice %arg8[%mul3A_80] : memref<4096xi32, #tpu.memory_space<vmem>> -> memref<64xi32, #tpu.memory_space<vmem>>
      %dma_wait3A_86 = arith.constant 0 : i32
      %dma_wait3A_87 = arith.constant 0 : i32
      %dma_wait3A_88 = tpu.memref_slice %arg2[%dma_wait3A_86, %dma_wait3A_87] : memref<51200x128xf32, #tpu.memory_space<hbm>> -> memref<51200x128xf32, #tpu.memory_space<hbm>>
      tpu.wait_indirect_dma semaphore(%arg15 : memref<!tpu.dma_semaphore, #tpu.memory_space<semaphore_mem>>) src(%dma_wait3A_88 : memref<51200x128xf32, #tpu.memory_space<hbm>>) dst(%dma_wait3A_84 : memref<64x128xf32, #tpu.memory_space<vmem>>)
      %mul3A_89 = arith.constant 64 : i32
      %mul3A_90 = arith.muli %mul3A_58, %mul3A_89 : i32
      %dma_wait3A_91 = arith.constant 0 : i32
      %dma_wait3A_92 = tpu.memref_slice %arg10[%scan3A_29, %dma_wait3A_91] : memref<2x64xf32, #tpu.memory_space<vmem>> -> memref<1x64xf32, #tpu.memory_space<vmem>>
      %dma_wait3A_93 = tpu.memref_squeeze %dma_wait3A_92 : memref<1x64xf32, #tpu.memory_space<vmem>> -> memref<64xf32, #tpu.memory_space<vmem>>
      %dma_wait3A_94 = tpu.memref_slice %arg7[%mul3A_90] : memref<4112xi32, #tpu.memory_space<vmem>> -> memref<64xi32, #tpu.memory_space<vmem>>
      %dma_wait3A_95 = arith.constant 0 : i32
      %dma_wait3A_96 = tpu.memref_slice %arg3[%dma_wait3A_95] : memref<102400xf32, #tpu.memory_space<hbm>> -> memref<102400xf32, #tpu.memory_space<hbm>>
      tpu.wait_indirect_dma semaphore(%arg15 : memref<!tpu.dma_semaphore, #tpu.memory_space<semaphore_mem>>) src(%dma_wait3A_96 : memref<102400xf32, #tpu.memory_space<hbm>>) dst(%dma_wait3A_93 : memref<64xf32, #tpu.memory_space<vmem>>)
      %get3A = arith.index_cast %mul3A_58 : i32 to index
      %get3A_97 = tpu.vector_load %arg9[%get3A] {strides = array<i32>} : memref<80xi32, #tpu.memory_space<vmem>>, vector<16xi32>,
      %slice3A = vector.extract_strided_slice %get3A_97 {offsets = [0], sizes = [1], strides = [1]} : vector<16xi32> to vector<1xi32>
      %squeeze3A = vector.extract %slice3A[0] : i32 from vector<1xi32>
      %get3A_98 = arith.constant 0 : i32
      %get3A_99 = tpu.memref_slice %arg10[%scan3A_29, %get3A_98] : memref<2x64xf32, #tpu.memory_space<vmem>> -> memref<1x64xf32, #tpu.memory_space<vmem>>
      %get3A_100 = tpu.memref_squeeze %get3A_99 : memref<1x64xf32, #tpu.memory_space<vmem>> -> memref<64xf32, #tpu.memory_space<vmem>>
      %get3A_101 = arith.constant 0 : index
      %get3A_102 = tpu.vector_load %get3A_100[%get3A_101] {strides = array<i32>} : memref<64xf32, #tpu.memory_space<vmem>>, vector<16xf32>,
      %add3A_103 = arith.constant 0 : i32
      %add3A_104 = vector.broadcast %add3A_103 : i32 to vector<16xi32>
      %add3A_105 = arith.addi %iota3A, %add3A_104 : vector<16xi32>
      %lt3A = vector.broadcast %squeeze3A : i32 to vector<16xi32>
      %lt3A_106 = arith.cmpi slt, %add3A_105, %lt3A : vector<16xi32>
      %jit3A = arith.constant -1.000000e+30 : f32
      %broadcast_in_dim3A = vector.broadcast %jit3A : f32 to vector<16xf32>
      %select_n3A = arith.select %lt3A_106, %get3A_102, %broadcast_in_dim3A : vector<16xi1>, vector<16xf32>
      %get3A_107 = arith.constant 0 : i32
      %get3A_108 = tpu.memref_slice %arg10[%scan3A_29, %get3A_107] : memref<2x64xf32, #tpu.memory_space<vmem>> -> memref<1x64xf32, #tpu.memory_space<vmem>>
      %get3A_109 = tpu.memref_squeeze %get3A_108 : memref<1x64xf32, #tpu.memory_space<vmem>> -> memref<64xf32, #tpu.memory_space<vmem>>
      %get3A_110 = arith.constant 16 : index
      %get3A_111 = tpu.vector_load %get3A_109[%get3A_110] {strides = array<i32>} : memref<64xf32, #tpu.memory_space<vmem>>, vector<16xf32>,
      %add3A_112 = arith.constant 16 : i32
      %add3A_113 = vector.broadcast %add3A_112 : i32 to vector<16xi32>
      %add3A_114 = arith.addi %iota3A, %add3A_113 : vector<16xi32>
      %lt3A_115 = vector.broadcast %squeeze3A : i32 to vector<16xi32>
      %lt3A_116 = arith.cmpi slt, %add3A_114, %lt3A_115 : vector<16xi32>
      %jit3A_117 = arith.constant -1.000000e+30 : f32
      %broadcast_in_dim3A_118 = vector.broadcast %jit3A_117 : f32 to vector<16xf32>
      %select_n3A_119 = arith.select %lt3A_116, %get3A_111, %broadcast_in_dim3A_118 : vector<16xi1>, vector<16xf32>
      %get3A_120 = arith.constant 0 : i32
      %get3A_121 = tpu.memref_slice %arg10[%scan3A_29, %get3A_120] : memref<2x64xf32, #tpu.memory_space<vmem>> -> memref<1x64xf32, #tpu.memory_space<vmem>>
      %get3A_122 = tpu.memref_squeeze %get3A_121 : memref<1x64xf32, #tpu.memory_space<vmem>> -> memref<64xf32, #tpu.memory_space<vmem>>
      %get3A_123 = arith.constant 32 : index
      %get3A_124 = tpu.vector_load %get3A_122[%get3A_123] {strides = array<i32>} : memref<64xf32, #tpu.memory_space<vmem>>, vector<16xf32>,
      %add3A_125 = arith.constant 32 : i32
      %add3A_126 = vector.broadcast %add3A_125 : i32 to vector<16xi32>
      %add3A_127 = arith.addi %iota3A, %add3A_126 : vector<16xi32>
      %lt3A_128 = vector.broadcast %squeeze3A : i32 to vector<16xi32>
      %lt3A_129 = arith.cmpi slt, %add3A_127, %lt3A_128 : vector<16xi32>
      %jit3A_130 = arith.constant -1.000000e+30 : f32
      %broadcast_in_dim3A_131 = vector.broadcast %jit3A_130 : f32 to vector<16xf32>
      %select_n3A_132 = arith.select %lt3A_129, %get3A_124, %broadcast_in_dim3A_131 : vector<16xi1>, vector<16xf32>
      %get3A_133 = arith.constant 0 : i32
      %get3A_134 = tpu.memref_slice %arg10[%scan3A_29, %get3A_133] : memref<2x64xf32, #tpu.memory_space<vmem>> -> memref<1x64xf32, #tpu.memory_space<vmem>>
      %get3A_135 = tpu.memref_squeeze %get3A_134 : memref<1x64xf32, #tpu.memory_space<vmem>> -> memref<64xf32, #tpu.memory_space<vmem>>
      %get3A_136 = arith.constant 48 : index
      %get3A_137 = tpu.vector_load %get3A_135[%get3A_136] {strides = array<i32>} : memref<64xf32, #tpu.memory_space<vmem>>, vector<16xf32>,
      %add3A_138 = arith.constant 48 : i32
      %add3A_139 = vector.broadcast %add3A_138 : i32 to vector<16xi32>
      %add3A_140 = arith.addi %iota3A, %add3A_139 : vector<16xi32>
      %lt3A_141 = vector.broadcast %squeeze3A : i32 to vector<16xi32>
      %lt3A_142 = arith.cmpi slt, %add3A_140, %lt3A_141 : vector<16xi32>
      %jit3A_143 = arith.constant -1.000000e+30 : f32
      %broadcast_in_dim3A_144 = vector.broadcast %jit3A_143 : f32 to vector<16xf32>
      %select_n3A_145 = arith.select %lt3A_142, %get3A_137, %broadcast_in_dim3A_144 : vector<16xi1>, vector<16xf32>
      %max3A = arith.maximumf %select_n3A, %select_n3A_119 : vector<16xf32>
      %max3A_146 = arith.maximumf %select_n3A_132, %select_n3A_145 : vector<16xf32>
      %max3A_147 = arith.maximumf %max3A, %max3A_146 : vector<16xf32>
      %reduce_max3A = arith.constant true
      %reduce_max3A_148 = vector.broadcast %reduce_max3A : i1 to vector<16xi1>
      %reduce_max3A_149 = tpu.scan <max>, %max3A_147 masked %reduce_max3A_148 : vector<16xf32>, vector<16xi1> -> vector<16xf32>
      %reduce_max3A_150 = vector.extract %reduce_max3A_149[15] : f32 from vector<16xf32>
      %add3A_151 = arith.constant 0 : i32
      %add3A_152 = vector.broadcast %add3A_151 : i32 to vector<16xi32>
      %add3A_153 = arith.addi %iota3A, %add3A_152 : vector<16xi32>
      %lt3A_154 = vector.broadcast %squeeze3A : i32 to vector<16xi32>
      %lt3A_155 = arith.cmpi slt, %add3A_153, %lt3A_154 : vector<16xi32>
      %sub3A = vector.broadcast %reduce_max3A_150 : f32 to vector<16xf32>
      %sub3A_156 = arith.subf %select_n3A, %sub3A : vector<16xf32>
      %exp3A = math.exp %sub3A_156 : vector<16xf32>
      %jit3A_157 = arith.constant 0.000000e+00 : f32
      %broadcast_in_dim3A_158 = vector.broadcast %jit3A_157 : f32 to vector<16xf32>
      %select_n3A_159 = arith.select %lt3A_155, %exp3A, %broadcast_in_dim3A_158 : vector<16xi1>, vector<16xf32>
      %add3A_160 = arith.constant 16 : i32
      %add3A_161 = vector.broadcast %add3A_160 : i32 to vector<16xi32>
      %add3A_162 = arith.addi %iota3A, %add3A_161 : vector<16xi32>
      %lt3A_163 = vector.broadcast %squeeze3A : i32 to vector<16xi32>
      %lt3A_164 = arith.cmpi slt, %add3A_162, %lt3A_163 : vector<16xi32>
      %sub3A_165 = vector.broadcast %reduce_max3A_150 : f32 to vector<16xf32>
      %sub3A_166 = arith.subf %select_n3A_119, %sub3A_165 : vector<16xf32>
      %exp3A_167 = math.exp %sub3A_166 : vector<16xf32>
      %jit3A_168 = arith.constant 0.000000e+00 : f32
      %broadcast_in_dim3A_169 = vector.broadcast %jit3A_168 : f32 to vector<16xf32>
      %select_n3A_170 = arith.select %lt3A_164, %exp3A_167, %broadcast_in_dim3A_169 : vector<16xi1>, vector<16xf32>
      %add3A_171 = arith.constant 32 : i32
      %add3A_172 = vector.broadcast %add3A_171 : i32 to vector<16xi32>
      %add3A_173 = arith.addi %iota3A, %add3A_172 : vector<16xi32>
      %lt3A_174 = vector.broadcast %squeeze3A : i32 to vector<16xi32>
      %lt3A_175 = arith.cmpi slt, %add3A_173, %lt3A_174 : vector<16xi32>
      %sub3A_176 = vector.broadcast %reduce_max3A_150 : f32 to vector<16xf32>
      %sub3A_177 = arith.subf %select_n3A_132, %sub3A_176 : vector<16xf32>
      %exp3A_178 = math.exp %sub3A_177 : vector<16xf32>
      %jit3A_179 = arith.constant 0.000000e+00 : f32
      %broadcast_in_dim3A_180 = vector.broadcast %jit3A_179 : f32 to vector<16xf32>
      %select_n3A_181 = arith.select %lt3A_175, %exp3A_178, %broadcast_in_dim3A_180 : vector<16xi1>, vector<16xf32>
      %add3A_182 = arith.constant 48 : i32
      %add3A_183 = vector.broadcast %add3A_182 : i32 to vector<16xi32>
      %add3A_184 = arith.addi %iota3A, %add3A_183 : vector<16xi32>
      %lt3A_185 = vector.broadcast %squeeze3A : i32 to vector<16xi32>
      %lt3A_186 = arith.cmpi slt, %add3A_184, %lt3A_185 : vector<16xi32>
      %sub3A_187 = vector.broadcast %reduce_max3A_150 : f32 to vector<16xf32>
      %sub3A_188 = arith.subf %select_n3A_145, %sub3A_187 : vector<16xf32>
      %exp3A_189 = math.exp %sub3A_188 : vector<16xf32>
      %jit3A_190 = arith.constant 0.000000e+00 : f32
      %broadcast_in_dim3A_191 = vector.broadcast %jit3A_190 : f32 to vector<16xf32>
      %select_n3A_192 = arith.select %lt3A_186, %exp3A_189, %broadcast_in_dim3A_191 : vector<16xi1>, vector<16xf32>
      %add3A_193 = arith.addf %select_n3A_159, %select_n3A_170 : vector<16xf32>
      %add3A_194 = arith.addf %add3A_193, %select_n3A_181 : vector<16xf32>
      %add3A_195 = arith.addf %add3A_194, %select_n3A_192 : vector<16xf32>
      %reduce_sum3A = arith.constant true
      %reduce_sum3A_196 = vector.broadcast %reduce_sum3A : i1 to vector<16xi1>
      %reduce_sum3A_197 = tpu.scan <sum>, %add3A_195 masked %reduce_sum3A_196 : vector<16xf32>, vector<16xi1> -> vector<16xf32>
      %reduce_sum3A_198 = vector.extract %reduce_sum3A_197[15] : f32 from vector<16xf32>
      %broadcast_in_dim3A_199 = vector.broadcast %reduce_sum3A_198 : f32 to vector<16xf32>
      %max3A_200 = arith.constant 9.99999968E-21 : f32
      %max3A_201 = vector.broadcast %max3A_200 : f32 to vector<16xf32>
      %max3A_202 = arith.maximumf %broadcast_in_dim3A_199, %max3A_201 : vector<16xf32>
      %div3A = arith.constant 1.000000e+00 : f32
      %div3A_203 = vector.broadcast %div3A : f32 to vector<16xf32>
      %div3A_204 = arith.divf %div3A_203, %max3A_202 : vector<16xf32>
      %mul3A_205 = arith.mulf %select_n3A_159, %div3A_204 : vector<16xf32>
      %swap3A = arith.constant 0 : index
      %swap3A_206 = tpu.vector_load %arg12[%swap3A] {strides = array<i32>} : memref<80xf32, #tpu.memory_space<vmem>>, vector<16xf32>,
      tpu.vector_store %arg12[%swap3A], %mul3A_205 {strides = array<i32>} : memref<80xf32, #tpu.memory_space<vmem>>, vector<16xf32>,
      %mul3A_207 = arith.constant 64 : i32
      %mul3A_208 = arith.muli %mul3A_58, %mul3A_207 : i32
      %add3A_209 = arith.constant 0 : i32
      %add3A_210 = arith.addi %mul3A_208, %add3A_209 : i32
      %get3A_211 = arith.index_cast %add3A_210 : i32 to index
      %get3A_212 = tpu.vector_load %arg7[%get3A_211] {strides = array<i32>} : memref<4112xi32, #tpu.memory_space<vmem>>, vector<16xi32>,
      %ge3A = arith.constant 51200 : i32
      %ge3A_213 = vector.broadcast %ge3A : i32 to vector<16xi32>
      %ge3A_214 = arith.cmpi sge, %get3A_212, %ge3A_213 : vector<16xi32>
      %convert_element_type3A = arith.extui %ge3A_214 : vector<16xi1> to vector<16xi32>
      %mul3A_215 = arith.constant 64 : i32
      %mul3A_216 = vector.broadcast %mul3A_215 : i32 to vector<16xi32>
      %mul3A_217 = arith.muli %convert_element_type3A, %mul3A_216 : vector<16xi32>
      %swap3A_218 = arith.constant 0 : index
      %swap3A_219 = tpu.vector_load %arg13[%swap3A_218] {strides = array<i32>} : memref<80xi32, #tpu.memory_space<vmem>>, vector<16xi32>,
      tpu.vector_store %arg13[%swap3A_218], %mul3A_217 {strides = array<i32>} : memref<80xi32, #tpu.memory_space<vmem>>, vector<16xi32>,
      %mul3A_220 = arith.mulf %select_n3A_170, %div3A_204 : vector<16xf32>
      %swap3A_221 = arith.constant 16 : index
      %swap3A_222 = tpu.vector_load %arg12[%swap3A_221] {strides = array<i32>} : memref<80xf32, #tpu.memory_space<vmem>>, vector<16xf32>,
      tpu.vector_store %arg12[%swap3A_221], %mul3A_220 {strides = array<i32>} : memref<80xf32, #tpu.memory_space<vmem>>, vector<16xf32>,
      %mul3A_223 = arith.constant 64 : i32
      %mul3A_224 = arith.muli %mul3A_58, %mul3A_223 : i32
      %add3A_225 = arith.constant 16 : i32
      %add3A_226 = arith.addi %mul3A_224, %add3A_225 : i32
      %get3A_227 = arith.index_cast %add3A_226 : i32 to index
      %get3A_228 = tpu.vector_load %arg7[%get3A_227] {strides = array<i32>} : memref<4112xi32, #tpu.memory_space<vmem>>, vector<16xi32>,
      %ge3A_229 = arith.constant 51200 : i32
      %ge3A_230 = vector.broadcast %ge3A_229 : i32 to vector<16xi32>
      %ge3A_231 = arith.cmpi sge, %get3A_228, %ge3A_230 : vector<16xi32>
      %convert_element_type3A_232 = arith.extui %ge3A_231 : vector<16xi1> to vector<16xi32>
      %mul3A_233 = arith.constant 64 : i32
      %mul3A_234 = vector.broadcast %mul3A_233 : i32 to vector<16xi32>
      %mul3A_235 = arith.muli %convert_element_type3A_232, %mul3A_234 : vector<16xi32>
      %swap3A_236 = arith.constant 16 : index
      %swap3A_237 = tpu.vector_load %arg13[%swap3A_236] {strides = array<i32>} : memref<80xi32, #tpu.memory_space<vmem>>, vector<16xi32>,
      tpu.vector_store %arg13[%swap3A_236], %mul3A_235 {strides = array<i32>} : memref<80xi32, #tpu.memory_space<vmem>>, vector<16xi32>,
      %mul3A_238 = arith.mulf %select_n3A_181, %div3A_204 : vector<16xf32>
      %swap3A_239 = arith.constant 32 : index
      %swap3A_240 = tpu.vector_load %arg12[%swap3A_239] {strides = array<i32>} : memref<80xf32, #tpu.memory_space<vmem>>, vector<16xf32>,
      tpu.vector_store %arg12[%swap3A_239], %mul3A_238 {strides = array<i32>} : memref<80xf32, #tpu.memory_space<vmem>>, vector<16xf32>,
      %mul3A_241 = arith.constant 64 : i32
      %mul3A_242 = arith.muli %mul3A_58, %mul3A_241 : i32
      %add3A_243 = arith.constant 32 : i32
      %add3A_244 = arith.addi %mul3A_242, %add3A_243 : i32
      %get3A_245 = arith.index_cast %add3A_244 : i32 to index
      %get3A_246 = tpu.vector_load %arg7[%get3A_245] {strides = array<i32>} : memref<4112xi32, #tpu.memory_space<vmem>>, vector<16xi32>,
      %ge3A_247 = arith.constant 51200 : i32
      %ge3A_248 = vector.broadcast %ge3A_247 : i32 to vector<16xi32>
      %ge3A_249 = arith.cmpi sge, %get3A_246, %ge3A_248 : vector<16xi32>
      %convert_element_type3A_250 = arith.extui %ge3A_249 : vector<16xi1> to vector<16xi32>
      %mul3A_251 = arith.constant 64 : i32
      %mul3A_252 = vector.broadcast %mul3A_251 : i32 to vector<16xi32>
      %mul3A_253 = arith.muli %convert_element_type3A_250, %mul3A_252 : vector<16xi32>
      %swap3A_254 = arith.constant 32 : index
      %swap3A_255 = tpu.vector_load %arg13[%swap3A_254] {strides = array<i32>} : memref<80xi32, #tpu.memory_space<vmem>>, vector<16xi32>,
      tpu.vector_store %arg13[%swap3A_254], %mul3A_253 {strides = array<i32>} : memref<80xi32, #tpu.memory_space<vmem>>, vector<16xi32>,
      %mul3A_256 = arith.mulf %select_n3A_192, %div3A_204 : vector<16xf32>
      %swap3A_257 = arith.constant 48 : index
      %swap3A_258 = tpu.vector_load %arg12[%swap3A_257] {strides = array<i32>} : memref<80xf32, #tpu.memory_space<vmem>>, vector<16xf32>,
      tpu.vector_store %arg12[%swap3A_257], %mul3A_256 {strides = array<i32>} : memref<80xf32, #tpu.memory_space<vmem>>, vector<16xf32>,
      %mul3A_259 = arith.constant 64 : i32
      %mul3A_260 = arith.muli %mul3A_58, %mul3A_259 : i32
      %add3A_261 = arith.constant 48 : i32
      %add3A_262 = arith.addi %mul3A_260, %add3A_261 : i32
      %get3A_263 = arith.index_cast %add3A_262 : i32 to index
      %get3A_264 = tpu.vector_load %arg7[%get3A_263] {strides = array<i32>} : memref<4112xi32, #tpu.memory_space<vmem>>, vector<16xi32>,
      %ge3A_265 = arith.constant 51200 : i32
      %ge3A_266 = vector.broadcast %ge3A_265 : i32 to vector<16xi32>
      %ge3A_267 = arith.cmpi sge, %get3A_264, %ge3A_266 : vector<16xi32>
      %convert_element_type3A_268 = arith.extui %ge3A_267 : vector<16xi1> to vector<16xi32>
      %mul3A_269 = arith.constant 64 : i32
      %mul3A_270 = vector.broadcast %mul3A_269 : i32 to vector<16xi32>
      %mul3A_271 = arith.muli %convert_element_type3A_268, %mul3A_270 : vector<16xi32>
      %swap3A_272 = arith.constant 48 : index
      %swap3A_273 = tpu.vector_load %arg13[%swap3A_272] {strides = array<i32>} : memref<80xi32, #tpu.memory_space<vmem>>, vector<16xi32>,
      tpu.vector_store %arg13[%swap3A_272], %mul3A_271 {strides = array<i32>} : memref<80xi32, #tpu.memory_space<vmem>>, vector<16xi32>,
      %broadcast_in_dim3A_274 = arith.constant 0.000000e+00 : f32
      %broadcast_in_dim3A_275 = vector.broadcast %broadcast_in_dim3A_274 : f32 to vector<16xf32>
      %add3A_276 = arith.constant 3 : i32
      %add3A_277 = arith.addi %squeeze3A, %add3A_276 : i32
      %shift_right_arithmetic3A = arith.constant 2 : i32
      %shift_right_arithmetic3A_278 = arith.shrsi %add3A_277, %shift_right_arithmetic3A : i32
      %mul3A_279 = arith.constant 4 : i32
      %mul3A_280 = arith.muli %shift_right_arithmetic3A_278, %mul3A_279 : i32
      %parallel_loop3A = arith.constant 0 : i32
      %parallel_loop3A_281 = arith.constant 1 : i32
      %parallel_loop3A_282:4 = scf.for %parallel_loop3A_550 = %parallel_loop3A to %mul3A_280 step %parallel_loop3A_281 iter_args(%parallel_loop3A_551 = %broadcast_in_dim3A_275, %parallel_loop3A_552 = %broadcast_in_dim3A_275, %parallel_loop3A_553 = %broadcast_in_dim3A_275, %parallel_loop3A_554 = %broadcast_in_dim3A_275) -> (vector<16xf32>, vector<16xf32>, vector<16xf32>, vector<16xf32>)  : i32 {
        %parallel_loop3A_555 = arith.index_cast %parallel_loop3A_550 : i32 to index
        %parallel_loop3A_556 = tpu.vector_load %arg12[%parallel_loop3A_555] {strides = array<i32>} : memref<80xf32, #tpu.memory_space<vmem>>, vector<16xf32>,
        %parallel_loop3A_557 = vector.extract_strided_slice %parallel_loop3A_556 {offsets = [0], sizes = [1], strides = [1]} : vector<16xf32> to vector<1xf32>
        %parallel_loop3A_558 = vector.extract %parallel_loop3A_557[0] : f32 from vector<1xf32>
        %parallel_loop3A_559 = arith.index_cast %parallel_loop3A_550 : i32 to index
        %parallel_loop3A_560 = tpu.vector_load %arg13[%parallel_loop3A_559] {strides = array<i32>} : memref<80xi32, #tpu.memory_space<vmem>>, vector<16xi32>,
        %parallel_loop3A_561 = vector.extract_strided_slice %parallel_loop3A_560 {offsets = [0], sizes = [1], strides = [1]} : vector<16xi32> to vector<1xi32>
        %parallel_loop3A_562 = vector.extract %parallel_loop3A_561[0] : i32 from vector<1xi32>
        %parallel_loop3A_563 = arith.constant 0 : i32
        %parallel_loop3A_564 = arith.constant 0 : i32
        %parallel_loop3A_565 = tpu.memref_slice %arg11[%scan3A_28, %parallel_loop3A_563, %parallel_loop3A_564] : memref<2x64x128xf32, #tpu.memory_space<vmem>> -> memref<1x64x128xf32, #tpu.memory_space<vmem>>
        %parallel_loop3A_566 = tpu.memref_squeeze %parallel_loop3A_565 : memref<1x64x128xf32, #tpu.memory_space<vmem>> -> memref<64x128xf32, #tpu.memory_space<vmem>>
        %parallel_loop3A_567 = arith.index_cast %parallel_loop3A_550 : i32 to index
        %parallel_loop3A_568 = arith.index_cast %parallel_loop3A_562 : i32 to index
        %parallel_loop3A_569 = tpu.vector_load %parallel_loop3A_566[%parallel_loop3A_567, %parallel_loop3A_568] {strides = array<i32>} : memref<64x128xf32, #tpu.memory_space<vmem>>, vector<16xf32>,
        %parallel_loop3A_570 = vector.broadcast %parallel_loop3A_558 : f32 to vector<16xf32>
        %parallel_loop3A_571 = arith.mulf %parallel_loop3A_570, %parallel_loop3A_569 : vector<16xf32>
        %parallel_loop3A_572 = arith.addf %parallel_loop3A_551, %parallel_loop3A_571 : vector<16xf32>
        %parallel_loop3A_573 = arith.constant 16 : i32
        %parallel_loop3A_574 = arith.addi %parallel_loop3A_562, %parallel_loop3A_573 : i32
        %parallel_loop3A_575 = arith.constant 0 : i32
        %parallel_loop3A_576 = arith.constant 0 : i32
        %parallel_loop3A_577 = tpu.memref_slice %arg11[%scan3A_28, %parallel_loop3A_575, %parallel_loop3A_576] : memref<2x64x128xf32, #tpu.memory_space<vmem>> -> memref<1x64x128xf32, #tpu.memory_space<vmem>>
        %parallel_loop3A_578 = tpu.memref_squeeze %parallel_loop3A_577 : memref<1x64x128xf32, #tpu.memory_space<vmem>> -> memref<64x128xf32, #tpu.memory_space<vmem>>
        %parallel_loop3A_579 = arith.index_cast %parallel_loop3A_550 : i32 to index
        %parallel_loop3A_580 = arith.index_cast %parallel_loop3A_574 : i32 to index
        %parallel_loop3A_581 = tpu.vector_load %parallel_loop3A_578[%parallel_loop3A_579, %parallel_loop3A_580] {strides = array<i32>} : memref<64x128xf32, #tpu.memory_space<vmem>>, vector<16xf32>,
        %parallel_loop3A_582 = vector.broadcast %parallel_loop3A_558 : f32 to vector<16xf32>
        %parallel_loop3A_583 = arith.mulf %parallel_loop3A_582, %parallel_loop3A_581 : vector<16xf32>
        %parallel_loop3A_584 = arith.addf %parallel_loop3A_552, %parallel_loop3A_583 : vector<16xf32>
        %parallel_loop3A_585 = arith.constant 32 : i32
        %parallel_loop3A_586 = arith.addi %parallel_loop3A_562, %parallel_loop3A_585 : i32
        %parallel_loop3A_587 = arith.constant 0 : i32
        %parallel_loop3A_588 = arith.constant 0 : i32
        %parallel_loop3A_589 = tpu.memref_slice %arg11[%scan3A_28, %parallel_loop3A_587, %parallel_loop3A_588] : memref<2x64x128xf32, #tpu.memory_space<vmem>> -> memref<1x64x128xf32, #tpu.memory_space<vmem>>
        %parallel_loop3A_590 = tpu.memref_squeeze %parallel_loop3A_589 : memref<1x64x128xf32, #tpu.memory_space<vmem>> -> memref<64x128xf32, #tpu.memory_space<vmem>>
        %parallel_loop3A_591 = arith.index_cast %parallel_loop3A_550 : i32 to index
        %parallel_loop3A_592 = arith.index_cast %parallel_loop3A_586 : i32 to index
        %parallel_loop3A_593 = tpu.vector_load %parallel_loop3A_590[%parallel_loop3A_591, %parallel_loop3A_592] {strides = array<i32>} : memref<64x128xf32, #tpu.memory_space<vmem>>, vector<16xf32>,
        %parallel_loop3A_594 = vector.broadcast %parallel_loop3A_558 : f32 to vector<16xf32>
        %parallel_loop3A_595 = arith.mulf %parallel_loop3A_594, %parallel_loop3A_593 : vector<16xf32>
        %parallel_loop3A_596 = arith.addf %parallel_loop3A_553, %parallel_loop3A_595 : vector<16xf32>
        %parallel_loop3A_597 = arith.constant 48 : i32
        %parallel_loop3A_598 = arith.addi %parallel_loop3A_562, %parallel_loop3A_597 : i32
        %parallel_loop3A_599 = arith.constant 0 : i32
        %parallel_loop3A_600 = arith.constant 0 : i32
        %parallel_loop3A_601 = tpu.memref_slice %arg11[%scan3A_28, %parallel_loop3A_599, %parallel_loop3A_600] : memref<2x64x128xf32, #tpu.memory_space<vmem>> -> memref<1x64x128xf32, #tpu.memory_space<vmem>>
        %parallel_loop3A_602 = tpu.memref_squeeze %parallel_loop3A_601 : memref<1x64x128xf32, #tpu.memory_space<vmem>> -> memref<64x128xf32, #tpu.memory_space<vmem>>
        %parallel_loop3A_603 = arith.index_cast %parallel_loop3A_550 : i32 to index
        %parallel_loop3A_604 = arith.index_cast %parallel_loop3A_598 : i32 to index
        %parallel_loop3A_605 = tpu.vector_load %parallel_loop3A_602[%parallel_loop3A_603, %parallel_loop3A_604] {strides = array<i32>} : memref<64x128xf32, #tpu.memory_space<vmem>>, vector<16xf32>,
        %parallel_loop3A_606 = vector.broadcast %parallel_loop3A_558 : f32 to vector<16xf32>
        %parallel_loop3A_607 = arith.mulf %parallel_loop3A_606, %parallel_loop3A_605 : vector<16xf32>
        %parallel_loop3A_608 = arith.addf %parallel_loop3A_554, %parallel_loop3A_607 : vector<16xf32>
        scf.yield %parallel_loop3A_572, %parallel_loop3A_584, %parallel_loop3A_596, %parallel_loop3A_608 : vector<16xf32>, vector<16xf32>, vector<16xf32>, vector<16xf32>
      } {sc.loop_unroll_factor = 4 : i64, sc.parallel_access}
      %swap3A_283 = arith.index_cast %mul3A_58 : i32 to index
      %swap3A_284 = arith.constant 0 : index
      %swap3A_285 = tpu.vector_load %arg14[%swap3A_283, %swap3A_284] {strides = array<i32>} : memref<64x64xf32, #tpu.memory_space<vmem>>, vector<16xf32>,
      tpu.vector_store %arg14[%swap3A_283, %swap3A_284], %parallel_loop3A_282#0 {strides = array<i32>} : memref<64x64xf32, #tpu.memory_space<vmem>>, vector<16xf32>,
      %swap3A_286 = arith.index_cast %mul3A_58 : i32 to index
      %swap3A_287 = arith.constant 16 : index
      %swap3A_288 = tpu.vector_load %arg14[%swap3A_286, %swap3A_287] {strides = array<i32>} : memref<64x64xf32, #tpu.memory_space<vmem>>, vector<16xf32>,
      tpu.vector_store %arg14[%swap3A_286, %swap3A_287], %parallel_loop3A_282#1 {strides = array<i32>} : memref<64x64xf32, #tpu.memory_space<vmem>>, vector<16xf32>,
      %swap3A_289 = arith.index_cast %mul3A_58 : i32 to index
      %swap3A_290 = arith.constant 32 : index
      %swap3A_291 = tpu.vector_load %arg14[%swap3A_289, %swap3A_290] {strides = array<i32>} : memref<64x64xf32, #tpu.memory_space<vmem>>, vector<16xf32>,
      tpu.vector_store %arg14[%swap3A_289, %swap3A_290], %parallel_loop3A_282#2 {strides = array<i32>} : memref<64x64xf32, #tpu.memory_space<vmem>>, vector<16xf32>,
      %swap3A_292 = arith.index_cast %mul3A_58 : i32 to index
      %swap3A_293 = arith.constant 48 : index
      %swap3A_294 = tpu.vector_load %arg14[%swap3A_292, %swap3A_293] {strides = array<i32>} : memref<64x64xf32, #tpu.memory_space<vmem>>, vector<16xf32>,
      tpu.vector_store %arg14[%swap3A_292, %swap3A_293], %parallel_loop3A_282#3 {strides = array<i32>} : memref<64x64xf32, #tpu.memory_space<vmem>>, vector<16xf32>,
      %add3A_295 = arith.constant 1 : i32
      %add3A_296 = arith.addi %add3A_60, %add3A_295 : i32
      %min3A = arith.constant 63 : i32
      %min3A_297 = arith.minsi %add3A_296, %min3A : i32
      %mul3A_298 = arith.constant 64 : i32
      %mul3A_299 = arith.muli %min3A_297, %mul3A_298 : i32
      %dma_start3A_300 = arith.constant 0 : i32
      %dma_start3A_301 = arith.constant 0 : i32
      %dma_start3A_302 = tpu.memref_slice %arg11[%scan3A_28, %dma_start3A_300, %dma_start3A_301] : memref<2x64x128xf32, #tpu.memory_space<vmem>> -> memref<1x64x128xf32, #tpu.memory_space<vmem>>
      %dma_start3A_303 = tpu.memref_squeeze %dma_start3A_302 : memref<1x64x128xf32, #tpu.memory_space<vmem>> -> memref<64x128xf32, #tpu.memory_space<vmem>>
      %dma_start3A_304 = tpu.memref_slice %arg8[%mul3A_299] : memref<4096xi32, #tpu.memory_space<vmem>> -> memref<64xi32, #tpu.memory_space<vmem>>
      %dma_start3A_305 = arith.constant 0 : i32
      %dma_start3A_306 = arith.constant 0 : i32
      %dma_start3A_307 = tpu.memref_slice %arg2[%dma_start3A_305, %dma_start3A_306] : memref<51200x128xf32, #tpu.memory_space<hbm>> -> memref<51200x128xf32, #tpu.memory_space<hbm>>
      tpu.enqueue_indirect_dma source(%dma_start3A_307 : memref<51200x128xf32, #tpu.memory_space<hbm>>) target(%dma_start3A_303 : memref<64x128xf32, #tpu.memory_space<vmem>>) offsets(%dma_start3A_304 : memref<64xi32, #tpu.memory_space<vmem>>) semaphore(%arg15 : memref<!tpu.dma_semaphore, #tpu.memory_space<semaphore_mem>>)
      %mul3A_308 = arith.constant 64 : i32
      %mul3A_309 = arith.muli %min3A_297, %mul3A_308 : i32
      %dma_start3A_310 = arith.constant 0 : i32
      %dma_start3A_311 = tpu.memref_slice %arg10[%scan3A_29, %dma_start3A_310] : memref<2x64xf32, #tpu.memory_space<vmem>> -> memref<1x64xf32, #tpu.memory_space<vmem>>
      %dma_start3A_312 = tpu.memref_squeeze %dma_start3A_311 : memref<1x64xf32, #tpu.memory_space<vmem>> -> memref<64xf32, #tpu.memory_space<vmem>>
      %dma_start3A_313 = tpu.memref_slice %arg7[%mul3A_309] : memref<4112xi32, #tpu.memory_space<vmem>> -> memref<64xi32, #tpu.memory_space<vmem>>
      %dma_start3A_314 = arith.constant 0 : i32
      %dma_start3A_315 = tpu.memref_slice %arg3[%dma_start3A_314] : memref<102400xf32, #tpu.memory_space<hbm>> -> memref<102400xf32, #tpu.memory_space<hbm>>
      tpu.enqueue_indirect_dma source(%dma_start3A_315 : memref<102400xf32, #tpu.memory_space<hbm>>) target(%dma_start3A_312 : memref<64xf32, #tpu.memory_space<vmem>>) offsets(%dma_start3A_313 : memref<64xi32, #tpu.memory_space<vmem>>) semaphore(%arg15 : memref<!tpu.dma_semaphore, #tpu.memory_space<semaphore_mem>>)
      %mul3A_316 = arith.constant 64 : i32
      %mul3A_317 = arith.muli %add3A_60, %mul3A_316 : i32
      %dma_wait3A_318 = arith.constant 0 : i32
      %dma_wait3A_319 = arith.constant 0 : i32
      %dma_wait3A_320 = tpu.memref_slice %arg11[%scan3A_26, %dma_wait3A_318, %dma_wait3A_319] : memref<2x64x128xf32, #tpu.memory_space<vmem>> -> memref<1x64x128xf32, #tpu.memory_space<vmem>>
      %dma_wait3A_321 = tpu.memref_squeeze %dma_wait3A_320 : memref<1x64x128xf32, #tpu.memory_space<vmem>> -> memref<64x128xf32, #tpu.memory_space<vmem>>
      %dma_wait3A_322 = tpu.memref_slice %arg8[%mul3A_317] : memref<4096xi32, #tpu.memory_space<vmem>> -> memref<64xi32, #tpu.memory_space<vmem>>
      %dma_wait3A_323 = arith.constant 0 : i32
      %dma_wait3A_324 = arith.constant 0 : i32
      %dma_wait3A_325 = tpu.memref_slice %arg2[%dma_wait3A_323, %dma_wait3A_324] : memref<51200x128xf32, #tpu.memory_space<hbm>> -> memref<51200x128xf32, #tpu.memory_space<hbm>>
      tpu.wait_indirect_dma semaphore(%arg16 : memref<!tpu.dma_semaphore, #tpu.memory_space<semaphore_mem>>) src(%dma_wait3A_325 : memref<51200x128xf32, #tpu.memory_space<hbm>>) dst(%dma_wait3A_321 : memref<64x128xf32, #tpu.memory_space<vmem>>)
      %mul3A_326 = arith.constant 64 : i32
      %mul3A_327 = arith.muli %add3A_60, %mul3A_326 : i32
      %dma_wait3A_328 = arith.constant 0 : i32
      %dma_wait3A_329 = tpu.memref_slice %arg10[%scan3A_27, %dma_wait3A_328] : memref<2x64xf32, #tpu.memory_space<vmem>> -> memref<1x64xf32, #tpu.memory_space<vmem>>
      %dma_wait3A_330 = tpu.memref_squeeze %dma_wait3A_329 : memref<1x64xf32, #tpu.memory_space<vmem>> -> memref<64xf32, #tpu.memory_space<vmem>>
      %dma_wait3A_331 = tpu.memref_slice %arg7[%mul3A_327] : memref<4112xi32, #tpu.memory_space<vmem>> -> memref<64xi32, #tpu.memory_space<vmem>>
      %dma_wait3A_332 = arith.constant 0 : i32
      %dma_wait3A_333 = tpu.memref_slice %arg3[%dma_wait3A_332] : memref<102400xf32, #tpu.memory_space<hbm>> -> memref<102400xf32, #tpu.memory_space<hbm>>
      tpu.wait_indirect_dma semaphore(%arg16 : memref<!tpu.dma_semaphore, #tpu.memory_space<semaphore_mem>>) src(%dma_wait3A_333 : memref<102400xf32, #tpu.memory_space<hbm>>) dst(%dma_wait3A_330 : memref<64xf32, #tpu.memory_space<vmem>>)
      %get3A_334 = arith.index_cast %add3A_60 : i32 to index
      %get3A_335 = tpu.vector_load %arg9[%get3A_334] {strides = array<i32>} : memref<80xi32, #tpu.memory_space<vmem>>, vector<16xi32>,
      %slice3A_336 = vector.extract_strided_slice %get3A_335 {offsets = [0], sizes = [1], strides = [1]} : vector<16xi32> to vector<1xi32>
      %squeeze3A_337 = vector.extract %slice3A_336[0] : i32 from vector<1xi32>
      %get3A_338 = arith.constant 0 : i32
      %get3A_339 = tpu.memref_slice %arg10[%scan3A_27, %get3A_338] : memref<2x64xf32, #tpu.memory_space<vmem>> -> memref<1x64xf32, #tpu.memory_space<vmem>>
      %get3A_340 = tpu.memref_squeeze %get3A_339 : memref<1x64xf32, #tpu.memory_space<vmem>> -> memref<64xf32, #tpu.memory_space<vmem>>
      %get3A_341 = arith.constant 0 : index
      %get3A_342 = tpu.vector_load %get3A_340[%get3A_341] {strides = array<i32>} : memref<64xf32, #tpu.memory_space<vmem>>, vector<16xf32>,
      %add3A_343 = arith.constant 0 : i32
      %add3A_344 = vector.broadcast %add3A_343 : i32 to vector<16xi32>
      %add3A_345 = arith.addi %iota3A, %add3A_344 : vector<16xi32>
      %lt3A_346 = vector.broadcast %squeeze3A_337 : i32 to vector<16xi32>
      %lt3A_347 = arith.cmpi slt, %add3A_345, %lt3A_346 : vector<16xi32>
      %jit3A_348 = arith.constant -1.000000e+30 : f32
      %broadcast_in_dim3A_349 = vector.broadcast %jit3A_348 : f32 to vector<16xf32>
      %select_n3A_350 = arith.select %lt3A_347, %get3A_342, %broadcast_in_dim3A_349 : vector<16xi1>, vector<16xf32>
      %get3A_351 = arith.constant 0 : i32
      %get3A_352 = tpu.memref_slice %arg10[%scan3A_27, %get3A_351] : memref<2x64xf32, #tpu.memory_space<vmem>> -> memref<1x64xf32, #tpu.memory_space<vmem>>
      %get3A_353 = tpu.memref_squeeze %get3A_352 : memref<1x64xf32, #tpu.memory_space<vmem>> -> memref<64xf32, #tpu.memory_space<vmem>>
      %get3A_354 = arith.constant 16 : index
      %get3A_355 = tpu.vector_load %get3A_353[%get3A_354] {strides = array<i32>} : memref<64xf32, #tpu.memory_space<vmem>>, vector<16xf32>,
      %add3A_356 = arith.constant 16 : i32
      %add3A_357 = vector.broadcast %add3A_356 : i32 to vector<16xi32>
      %add3A_358 = arith.addi %iota3A, %add3A_357 : vector<16xi32>
      %lt3A_359 = vector.broadcast %squeeze3A_337 : i32 to vector<16xi32>
      %lt3A_360 = arith.cmpi slt, %add3A_358, %lt3A_359 : vector<16xi32>
      %jit3A_361 = arith.constant -1.000000e+30 : f32
      %broadcast_in_dim3A_362 = vector.broadcast %jit3A_361 : f32 to vector<16xf32>
      %select_n3A_363 = arith.select %lt3A_360, %get3A_355, %broadcast_in_dim3A_362 : vector<16xi1>, vector<16xf32>
      %get3A_364 = arith.constant 0 : i32
      %get3A_365 = tpu.memref_slice %arg10[%scan3A_27, %get3A_364] : memref<2x64xf32, #tpu.memory_space<vmem>> -> memref<1x64xf32, #tpu.memory_space<vmem>>
      %get3A_366 = tpu.memref_squeeze %get3A_365 : memref<1x64xf32, #tpu.memory_space<vmem>> -> memref<64xf32, #tpu.memory_space<vmem>>
      %get3A_367 = arith.constant 32 : index
      %get3A_368 = tpu.vector_load %get3A_366[%get3A_367] {strides = array<i32>} : memref<64xf32, #tpu.memory_space<vmem>>, vector<16xf32>,
      %add3A_369 = arith.constant 32 : i32
      %add3A_370 = vector.broadcast %add3A_369 : i32 to vector<16xi32>
      %add3A_371 = arith.addi %iota3A, %add3A_370 : vector<16xi32>
      %lt3A_372 = vector.broadcast %squeeze3A_337 : i32 to vector<16xi32>
      %lt3A_373 = arith.cmpi slt, %add3A_371, %lt3A_372 : vector<16xi32>
      %jit3A_374 = arith.constant -1.000000e+30 : f32
      %broadcast_in_dim3A_375 = vector.broadcast %jit3A_374 : f32 to vector<16xf32>
      %select_n3A_376 = arith.select %lt3A_373, %get3A_368, %broadcast_in_dim3A_375 : vector<16xi1>, vector<16xf32>
      %get3A_377 = arith.constant 0 : i32
      %get3A_378 = tpu.memref_slice %arg10[%scan3A_27, %get3A_377] : memref<2x64xf32, #tpu.memory_space<vmem>> -> memref<1x64xf32, #tpu.memory_space<vmem>>
      %get3A_379 = tpu.memref_squeeze %get3A_378 : memref<1x64xf32, #tpu.memory_space<vmem>> -> memref<64xf32, #tpu.memory_space<vmem>>
      %get3A_380 = arith.constant 48 : index
      %get3A_381 = tpu.vector_load %get3A_379[%get3A_380] {strides = array<i32>} : memref<64xf32, #tpu.memory_space<vmem>>, vector<16xf32>,
      %add3A_382 = arith.constant 48 : i32
      %add3A_383 = vector.broadcast %add3A_382 : i32 to vector<16xi32>
      %add3A_384 = arith.addi %iota3A, %add3A_383 : vector<16xi32>
      %lt3A_385 = vector.broadcast %squeeze3A_337 : i32 to vector<16xi32>
      %lt3A_386 = arith.cmpi slt, %add3A_384, %lt3A_385 : vector<16xi32>
      %jit3A_387 = arith.constant -1.000000e+30 : f32
      %broadcast_in_dim3A_388 = vector.broadcast %jit3A_387 : f32 to vector<16xf32>
      %select_n3A_389 = arith.select %lt3A_386, %get3A_381, %broadcast_in_dim3A_388 : vector<16xi1>, vector<16xf32>
      %max3A_390 = arith.maximumf %select_n3A_350, %select_n3A_363 : vector<16xf32>
      %max3A_391 = arith.maximumf %select_n3A_376, %select_n3A_389 : vector<16xf32>
      %max3A_392 = arith.maximumf %max3A_390, %max3A_391 : vector<16xf32>
      %reduce_max3A_393 = arith.constant true
      %reduce_max3A_394 = vector.broadcast %reduce_max3A_393 : i1 to vector<16xi1>
      %reduce_max3A_395 = tpu.scan <max>, %max3A_392 masked %reduce_max3A_394 : vector<16xf32>, vector<16xi1> -> vector<16xf32>
      %reduce_max3A_396 = vector.extract %reduce_max3A_395[15] : f32 from vector<16xf32>
      %add3A_397 = arith.constant 0 : i32
      %add3A_398 = vector.broadcast %add3A_397 : i32 to vector<16xi32>
      %add3A_399 = arith.addi %iota3A, %add3A_398 : vector<16xi32>
      %lt3A_400 = vector.broadcast %squeeze3A_337 : i32 to vector<16xi32>
      %lt3A_401 = arith.cmpi slt, %add3A_399, %lt3A_400 : vector<16xi32>
      %sub3A_402 = vector.broadcast %reduce_max3A_396 : f32 to vector<16xf32>
      %sub3A_403 = arith.subf %select_n3A_350, %sub3A_402 : vector<16xf32>
      %exp3A_404 = math.exp %sub3A_403 : vector<16xf32>
      %jit3A_405 = arith.constant 0.000000e+00 : f32
      %broadcast_in_dim3A_406 = vector.broadcast %jit3A_405 : f32 to vector<16xf32>
      %select_n3A_407 = arith.select %lt3A_401, %exp3A_404, %broadcast_in_dim3A_406 : vector<16xi1>, vector<16xf32>
      %add3A_408 = arith.constant 16 : i32
      %add3A_409 = vector.broadcast %add3A_408 : i32 to vector<16xi32>
      %add3A_410 = arith.addi %iota3A, %add3A_409 : vector<16xi32>
      %lt3A_411 = vector.broadcast %squeeze3A_337 : i32 to vector<16xi32>
      %lt3A_412 = arith.cmpi slt, %add3A_410, %lt3A_411 : vector<16xi32>
      %sub3A_413 = vector.broadcast %reduce_max3A_396 : f32 to vector<16xf32>
      %sub3A_414 = arith.subf %select_n3A_363, %sub3A_413 : vector<16xf32>
      %exp3A_415 = math.exp %sub3A_414 : vector<16xf32>
      %jit3A_416 = arith.constant 0.000000e+00 : f32
      %broadcast_in_dim3A_417 = vector.broadcast %jit3A_416 : f32 to vector<16xf32>
      %select_n3A_418 = arith.select %lt3A_412, %exp3A_415, %broadcast_in_dim3A_417 : vector<16xi1>, vector<16xf32>
      %add3A_419 = arith.constant 32 : i32
      %add3A_420 = vector.broadcast %add3A_419 : i32 to vector<16xi32>
      %add3A_421 = arith.addi %iota3A, %add3A_420 : vector<16xi32>
      %lt3A_422 = vector.broadcast %squeeze3A_337 : i32 to vector<16xi32>
      %lt3A_423 = arith.cmpi slt, %add3A_421, %lt3A_422 : vector<16xi32>
      %sub3A_424 = vector.broadcast %reduce_max3A_396 : f32 to vector<16xf32>
      %sub3A_425 = arith.subf %select_n3A_376, %sub3A_424 : vector<16xf32>
      %exp3A_426 = math.exp %sub3A_425 : vector<16xf32>
      %jit3A_427 = arith.constant 0.000000e+00 : f32
      %broadcast_in_dim3A_428 = vector.broadcast %jit3A_427 : f32 to vector<16xf32>
      %select_n3A_429 = arith.select %lt3A_423, %exp3A_426, %broadcast_in_dim3A_428 : vector<16xi1>, vector<16xf32>
      %add3A_430 = arith.constant 48 : i32
      %add3A_431 = vector.broadcast %add3A_430 : i32 to vector<16xi32>
      %add3A_432 = arith.addi %iota3A, %add3A_431 : vector<16xi32>
      %lt3A_433 = vector.broadcast %squeeze3A_337 : i32 to vector<16xi32>
      %lt3A_434 = arith.cmpi slt, %add3A_432, %lt3A_433 : vector<16xi32>
      %sub3A_435 = vector.broadcast %reduce_max3A_396 : f32 to vector<16xf32>
      %sub3A_436 = arith.subf %select_n3A_389, %sub3A_435 : vector<16xf32>
      %exp3A_437 = math.exp %sub3A_436 : vector<16xf32>
      %jit3A_438 = arith.constant 0.000000e+00 : f32
      %broadcast_in_dim3A_439 = vector.broadcast %jit3A_438 : f32 to vector<16xf32>
      %select_n3A_440 = arith.select %lt3A_434, %exp3A_437, %broadcast_in_dim3A_439 : vector<16xi1>, vector<16xf32>
      %add3A_441 = arith.addf %select_n3A_407, %select_n3A_418 : vector<16xf32>
      %add3A_442 = arith.addf %add3A_441, %select_n3A_429 : vector<16xf32>
      %add3A_443 = arith.addf %add3A_442, %select_n3A_440 : vector<16xf32>
      %reduce_sum3A_444 = arith.constant true
      %reduce_sum3A_445 = vector.broadcast %reduce_sum3A_444 : i1 to vector<16xi1>
      %reduce_sum3A_446 = tpu.scan <sum>, %add3A_443 masked %reduce_sum3A_445 : vector<16xf32>, vector<16xi1> -> vector<16xf32>
      %reduce_sum3A_447 = vector.extract %reduce_sum3A_446[15] : f32 from vector<16xf32>
      %broadcast_in_dim3A_448 = vector.broadcast %reduce_sum3A_447 : f32 to vector<16xf32>
      %max3A_449 = arith.constant 9.99999968E-21 : f32
      %max3A_450 = vector.broadcast %max3A_449 : f32 to vector<16xf32>
      %max3A_451 = arith.maximumf %broadcast_in_dim3A_448, %max3A_450 : vector<16xf32>
      %div3A_452 = arith.constant 1.000000e+00 : f32
      %div3A_453 = vector.broadcast %div3A_452 : f32 to vector<16xf32>
      %div3A_454 = arith.divf %div3A_453, %max3A_451 : vector<16xf32>
      %mul3A_455 = arith.mulf %select_n3A_407, %div3A_454 : vector<16xf32>
      %swap3A_456 = arith.constant 0 : index
      %swap3A_457 = tpu.vector_load %arg12[%swap3A_456] {strides = array<i32>} : memref<80xf32, #tpu.memory_space<vmem>>, vector<16xf32>,
      tpu.vector_store %arg12[%swap3A_456], %mul3A_455 {strides = array<i32>} : memref<80xf32, #tpu.memory_space<vmem>>, vector<16xf32>,
      %mul3A_458 = arith.constant 64 : i32
      %mul3A_459 = arith.muli %add3A_60, %mul3A_458 : i32
      %add3A_460 = arith.constant 0 : i32
      %add3A_461 = arith.addi %mul3A_459, %add3A_460 : i32
      %get3A_462 = arith.index_cast %add3A_461 : i32 to index
      %get3A_463 = tpu.vector_load %arg7[%get3A_462] {strides = array<i32>} : memref<4112xi32, #tpu.memory_space<vmem>>, vector<16xi32>,
      %ge3A_464 = arith.constant 51200 : i32
      %ge3A_465 = vector.broadcast %ge3A_464 : i32 to vector<16xi32>
      %ge3A_466 = arith.cmpi sge, %get3A_463, %ge3A_465 : vector<16xi32>
      %convert_element_type3A_467 = arith.extui %ge3A_466 : vector<16xi1> to vector<16xi32>
      %mul3A_468 = arith.constant 64 : i32
      %mul3A_469 = vector.broadcast %mul3A_468 : i32 to vector<16xi32>
      %mul3A_470 = arith.muli %convert_element_type3A_467, %mul3A_469 : vector<16xi32>
      %swap3A_471 = arith.constant 0 : index
      %swap3A_472 = tpu.vector_load %arg13[%swap3A_471] {strides = array<i32>} : memref<80xi32, #tpu.memory_space<vmem>>, vector<16xi32>,
      tpu.vector_store %arg13[%swap3A_471], %mul3A_470 {strides = array<i32>} : memref<80xi32, #tpu.memory_space<vmem>>, vector<16xi32>,
      %mul3A_473 = arith.mulf %select_n3A_418, %div3A_454 : vector<16xf32>
      %swap3A_474 = arith.constant 16 : index
      %swap3A_475 = tpu.vector_load %arg12[%swap3A_474] {strides = array<i32>} : memref<80xf32, #tpu.memory_space<vmem>>, vector<16xf32>,
      tpu.vector_store %arg12[%swap3A_474], %mul3A_473 {strides = array<i32>} : memref<80xf32, #tpu.memory_space<vmem>>, vector<16xf32>,
      %mul3A_476 = arith.constant 64 : i32
      %mul3A_477 = arith.muli %add3A_60, %mul3A_476 : i32
      %add3A_478 = arith.constant 16 : i32
      %add3A_479 = arith.addi %mul3A_477, %add3A_478 : i32
      %get3A_480 = arith.index_cast %add3A_479 : i32 to index
      %get3A_481 = tpu.vector_load %arg7[%get3A_480] {strides = array<i32>} : memref<4112xi32, #tpu.memory_space<vmem>>, vector<16xi32>,
      %ge3A_482 = arith.constant 51200 : i32
      %ge3A_483 = vector.broadcast %ge3A_482 : i32 to vector<16xi32>
      %ge3A_484 = arith.cmpi sge, %get3A_481, %ge3A_483 : vector<16xi32>
      %convert_element_type3A_485 = arith.extui %ge3A_484 : vector<16xi1> to vector<16xi32>
      %mul3A_486 = arith.constant 64 : i32
      %mul3A_487 = vector.broadcast %mul3A_486 : i32 to vector<16xi32>
      %mul3A_488 = arith.muli %convert_element_type3A_485, %mul3A_487 : vector<16xi32>
      %swap3A_489 = arith.constant 16 : index
      %swap3A_490 = tpu.vector_load %arg13[%swap3A_489] {strides = array<i32>} : memref<80xi32, #tpu.memory_space<vmem>>, vector<16xi32>,
      tpu.vector_store %arg13[%swap3A_489], %mul3A_488 {strides = array<i32>} : memref<80xi32, #tpu.memory_space<vmem>>, vector<16xi32>,
      %mul3A_491 = arith.mulf %select_n3A_429, %div3A_454 : vector<16xf32>
      %swap3A_492 = arith.constant 32 : index
      %swap3A_493 = tpu.vector_load %arg12[%swap3A_492] {strides = array<i32>} : memref<80xf32, #tpu.memory_space<vmem>>, vector<16xf32>,
      tpu.vector_store %arg12[%swap3A_492], %mul3A_491 {strides = array<i32>} : memref<80xf32, #tpu.memory_space<vmem>>, vector<16xf32>,
      %mul3A_494 = arith.constant 64 : i32
      %mul3A_495 = arith.muli %add3A_60, %mul3A_494 : i32
      %add3A_496 = arith.constant 32 : i32
      %add3A_497 = arith.addi %mul3A_495, %add3A_496 : i32
      %get3A_498 = arith.index_cast %add3A_497 : i32 to index
      %get3A_499 = tpu.vector_load %arg7[%get3A_498] {strides = array<i32>} : memref<4112xi32, #tpu.memory_space<vmem>>, vector<16xi32>,
      %ge3A_500 = arith.constant 51200 : i32
      %ge3A_501 = vector.broadcast %ge3A_500 : i32 to vector<16xi32>
      %ge3A_502 = arith.cmpi sge, %get3A_499, %ge3A_501 : vector<16xi32>
      %convert_element_type3A_503 = arith.extui %ge3A_502 : vector<16xi1> to vector<16xi32>
      %mul3A_504 = arith.constant 64 : i32
      %mul3A_505 = vector.broadcast %mul3A_504 : i32 to vector<16xi32>
      %mul3A_506 = arith.muli %convert_element_type3A_503, %mul3A_505 : vector<16xi32>
      %swap3A_507 = arith.constant 32 : index
      %swap3A_508 = tpu.vector_load %arg13[%swap3A_507] {strides = array<i32>} : memref<80xi32, #tpu.memory_space<vmem>>, vector<16xi32>,
      tpu.vector_store %arg13[%swap3A_507], %mul3A_506 {strides = array<i32>} : memref<80xi32, #tpu.memory_space<vmem>>, vector<16xi32>,
      %mul3A_509 = arith.mulf %select_n3A_440, %div3A_454 : vector<16xf32>
      %swap3A_510 = arith.constant 48 : index
      %swap3A_511 = tpu.vector_load %arg12[%swap3A_510] {strides = array<i32>} : memref<80xf32, #tpu.memory_space<vmem>>, vector<16xf32>,
      tpu.vector_store %arg12[%swap3A_510], %mul3A_509 {strides = array<i32>} : memref<80xf32, #tpu.memory_space<vmem>>, vector<16xf32>,
      %mul3A_512 = arith.constant 64 : i32
      %mul3A_513 = arith.muli %add3A_60, %mul3A_512 : i32
      %add3A_514 = arith.constant 48 : i32
      %add3A_515 = arith.addi %mul3A_513, %add3A_514 : i32
      %get3A_516 = arith.index_cast %add3A_515 : i32 to index
      %get3A_517 = tpu.vector_load %arg7[%get3A_516] {strides = array<i32>} : memref<4112xi32, #tpu.memory_space<vmem>>, vector<16xi32>,
      %ge3A_518 = arith.constant 51200 : i32
      %ge3A_519 = vector.broadcast %ge3A_518 : i32 to vector<16xi32>
      %ge3A_520 = arith.cmpi sge, %get3A_517, %ge3A_519 : vector<16xi32>
      %convert_element_type3A_521 = arith.extui %ge3A_520 : vector<16xi1> to vector<16xi32>
      %mul3A_522 = arith.constant 64 : i32
      %mul3A_523 = vector.broadcast %mul3A_522 : i32 to vector<16xi32>
      %mul3A_524 = arith.muli %convert_element_type3A_521, %mul3A_523 : vector<16xi32>
      %swap3A_525 = arith.constant 48 : index
      %swap3A_526 = tpu.vector_load %arg13[%swap3A_525] {strides = array<i32>} : memref<80xi32, #tpu.memory_space<vmem>>, vector<16xi32>,
      tpu.vector_store %arg13[%swap3A_525], %mul3A_524 {strides = array<i32>} : memref<80xi32, #tpu.memory_space<vmem>>, vector<16xi32>,
      %broadcast_in_dim3A_527 = arith.constant 0.000000e+00 : f32
      %broadcast_in_dim3A_528 = vector.broadcast %broadcast_in_dim3A_527 : f32 to vector<16xf32>
      %add3A_529 = arith.constant 3 : i32
      %add3A_530 = arith.addi %squeeze3A_337, %add3A_529 : i32
      %shift_right_arithmetic3A_531 = arith.constant 2 : i32
      %shift_right_arithmetic3A_532 = arith.shrsi %add3A_530, %shift_right_arithmetic3A_531 : i32
      %mul3A_533 = arith.constant 4 : i32
      %mul3A_534 = arith.muli %shift_right_arithmetic3A_532, %mul3A_533 : i32
      %parallel_loop3A_535 = arith.constant 0 : i32
      %parallel_loop3A_536 = arith.constant 1 : i32
      %parallel_loop3A_537:4 = scf.for %parallel_loop3A_550 = %parallel_loop3A_535 to %mul3A_534 step %parallel_loop3A_536 iter_args(%parallel_loop3A_551 = %broadcast_in_dim3A_528, %parallel_loop3A_552 = %broadcast_in_dim3A_528, %parallel_loop3A_553 = %broadcast_in_dim3A_528, %parallel_loop3A_554 = %broadcast_in_dim3A_528) -> (vector<16xf32>, vector<16xf32>, vector<16xf32>, vector<16xf32>)  : i32 {
        %parallel_loop3A_555 = arith.index_cast %parallel_loop3A_550 : i32 to index
        %parallel_loop3A_556 = tpu.vector_load %arg12[%parallel_loop3A_555] {strides = array<i32>} : memref<80xf32, #tpu.memory_space<vmem>>, vector<16xf32>,
        %parallel_loop3A_557 = vector.extract_strided_slice %parallel_loop3A_556 {offsets = [0], sizes = [1], strides = [1]} : vector<16xf32> to vector<1xf32>
        %parallel_loop3A_558 = vector.extract %parallel_loop3A_557[0] : f32 from vector<1xf32>
        %parallel_loop3A_559 = arith.index_cast %parallel_loop3A_550 : i32 to index
        %parallel_loop3A_560 = tpu.vector_load %arg13[%parallel_loop3A_559] {strides = array<i32>} : memref<80xi32, #tpu.memory_space<vmem>>, vector<16xi32>,
        %parallel_loop3A_561 = vector.extract_strided_slice %parallel_loop3A_560 {offsets = [0], sizes = [1], strides = [1]} : vector<16xi32> to vector<1xi32>
        %parallel_loop3A_562 = vector.extract %parallel_loop3A_561[0] : i32 from vector<1xi32>
        %parallel_loop3A_563 = arith.constant 0 : i32
        %parallel_loop3A_564 = arith.constant 0 : i32
        %parallel_loop3A_565 = tpu.memref_slice %arg11[%scan3A_26, %parallel_loop3A_563, %parallel_loop3A_564] : memref<2x64x128xf32, #tpu.memory_space<vmem>> -> memref<1x64x128xf32, #tpu.memory_space<vmem>>
        %parallel_loop3A_566 = tpu.memref_squeeze %parallel_loop3A_565 : memref<1x64x128xf32, #tpu.memory_space<vmem>> -> memref<64x128xf32, #tpu.memory_space<vmem>>
        %parallel_loop3A_567 = arith.index_cast %parallel_loop3A_550 : i32 to index
        %parallel_loop3A_568 = arith.index_cast %parallel_loop3A_562 : i32 to index
        %parallel_loop3A_569 = tpu.vector_load %parallel_loop3A_566[%parallel_loop3A_567, %parallel_loop3A_568] {strides = array<i32>} : memref<64x128xf32, #tpu.memory_space<vmem>>, vector<16xf32>,
        %parallel_loop3A_570 = vector.broadcast %parallel_loop3A_558 : f32 to vector<16xf32>
        %parallel_loop3A_571 = arith.mulf %parallel_loop3A_570, %parallel_loop3A_569 : vector<16xf32>
        %parallel_loop3A_572 = arith.addf %parallel_loop3A_551, %parallel_loop3A_571 : vector<16xf32>
        %parallel_loop3A_573 = arith.constant 16 : i32
        %parallel_loop3A_574 = arith.addi %parallel_loop3A_562, %parallel_loop3A_573 : i32
        %parallel_loop3A_575 = arith.constant 0 : i32
        %parallel_loop3A_576 = arith.constant 0 : i32
        %parallel_loop3A_577 = tpu.memref_slice %arg11[%scan3A_26, %parallel_loop3A_575, %parallel_loop3A_576] : memref<2x64x128xf32, #tpu.memory_space<vmem>> -> memref<1x64x128xf32, #tpu.memory_space<vmem>>
        %parallel_loop3A_578 = tpu.memref_squeeze %parallel_loop3A_577 : memref<1x64x128xf32, #tpu.memory_space<vmem>> -> memref<64x128xf32, #tpu.memory_space<vmem>>
        %parallel_loop3A_579 = arith.index_cast %parallel_loop3A_550 : i32 to index
        %parallel_loop3A_580 = arith.index_cast %parallel_loop3A_574 : i32 to index
        %parallel_loop3A_581 = tpu.vector_load %parallel_loop3A_578[%parallel_loop3A_579, %parallel_loop3A_580] {strides = array<i32>} : memref<64x128xf32, #tpu.memory_space<vmem>>, vector<16xf32>,
        %parallel_loop3A_582 = vector.broadcast %parallel_loop3A_558 : f32 to vector<16xf32>
        %parallel_loop3A_583 = arith.mulf %parallel_loop3A_582, %parallel_loop3A_581 : vector<16xf32>
        %parallel_loop3A_584 = arith.addf %parallel_loop3A_552, %parallel_loop3A_583 : vector<16xf32>
        %parallel_loop3A_585 = arith.constant 32 : i32
        %parallel_loop3A_586 = arith.addi %parallel_loop3A_562, %parallel_loop3A_585 : i32
        %parallel_loop3A_587 = arith.constant 0 : i32
        %parallel_loop3A_588 = arith.constant 0 : i32
        %parallel_loop3A_589 = tpu.memref_slice %arg11[%scan3A_26, %parallel_loop3A_587, %parallel_loop3A_588] : memref<2x64x128xf32, #tpu.memory_space<vmem>> -> memref<1x64x128xf32, #tpu.memory_space<vmem>>
        %parallel_loop3A_590 = tpu.memref_squeeze %parallel_loop3A_589 : memref<1x64x128xf32, #tpu.memory_space<vmem>> -> memref<64x128xf32, #tpu.memory_space<vmem>>
        %parallel_loop3A_591 = arith.index_cast %parallel_loop3A_550 : i32 to index
        %parallel_loop3A_592 = arith.index_cast %parallel_loop3A_586 : i32 to index
        %parallel_loop3A_593 = tpu.vector_load %parallel_loop3A_590[%parallel_loop3A_591, %parallel_loop3A_592] {strides = array<i32>} : memref<64x128xf32, #tpu.memory_space<vmem>>, vector<16xf32>,
        %parallel_loop3A_594 = vector.broadcast %parallel_loop3A_558 : f32 to vector<16xf32>
        %parallel_loop3A_595 = arith.mulf %parallel_loop3A_594, %parallel_loop3A_593 : vector<16xf32>
        %parallel_loop3A_596 = arith.addf %parallel_loop3A_553, %parallel_loop3A_595 : vector<16xf32>
        %parallel_loop3A_597 = arith.constant 48 : i32
        %parallel_loop3A_598 = arith.addi %parallel_loop3A_562, %parallel_loop3A_597 : i32
        %parallel_loop3A_599 = arith.constant 0 : i32
        %parallel_loop3A_600 = arith.constant 0 : i32
        %parallel_loop3A_601 = tpu.memref_slice %arg11[%scan3A_26, %parallel_loop3A_599, %parallel_loop3A_600] : memref<2x64x128xf32, #tpu.memory_space<vmem>> -> memref<1x64x128xf32, #tpu.memory_space<vmem>>
        %parallel_loop3A_602 = tpu.memref_squeeze %parallel_loop3A_601 : memref<1x64x128xf32, #tpu.memory_space<vmem>> -> memref<64x128xf32, #tpu.memory_space<vmem>>
        %parallel_loop3A_603 = arith.index_cast %parallel_loop3A_550 : i32 to index
        %parallel_loop3A_604 = arith.index_cast %parallel_loop3A_598 : i32 to index
        %parallel_loop3A_605 = tpu.vector_load %parallel_loop3A_602[%parallel_loop3A_603, %parallel_loop3A_604] {strides = array<i32>} : memref<64x128xf32, #tpu.memory_space<vmem>>, vector<16xf32>,
        %parallel_loop3A_606 = vector.broadcast %parallel_loop3A_558 : f32 to vector<16xf32>
        %parallel_loop3A_607 = arith.mulf %parallel_loop3A_606, %parallel_loop3A_605 : vector<16xf32>
        %parallel_loop3A_608 = arith.addf %parallel_loop3A_554, %parallel_loop3A_607 : vector<16xf32>
        scf.yield %parallel_loop3A_572, %parallel_loop3A_584, %parallel_loop3A_596, %parallel_loop3A_608 : vector<16xf32>, vector<16xf32>, vector<16xf32>, vector<16xf32>
      } {sc.loop_unroll_factor = 4 : i64, sc.parallel_access}
      %swap3A_538 = arith.index_cast %add3A_60 : i32 to index
      %swap3A_539 = arith.constant 0 : index
      %swap3A_540 = tpu.vector_load %arg14[%swap3A_538, %swap3A_539] {strides = array<i32>} : memref<64x64xf32, #tpu.memory_space<vmem>>, vector<16xf32>,
      tpu.vector_store %arg14[%swap3A_538, %swap3A_539], %parallel_loop3A_537#0 {strides = array<i32>} : memref<64x64xf32, #tpu.memory_space<vmem>>, vector<16xf32>,
      %swap3A_541 = arith.index_cast %add3A_60 : i32 to index
      %swap3A_542 = arith.constant 16 : index
      %swap3A_543 = tpu.vector_load %arg14[%swap3A_541, %swap3A_542] {strides = array<i32>} : memref<64x64xf32, #tpu.memory_space<vmem>>, vector<16xf32>,
      tpu.vector_store %arg14[%swap3A_541, %swap3A_542], %parallel_loop3A_537#1 {strides = array<i32>} : memref<64x64xf32, #tpu.memory_space<vmem>>, vector<16xf32>,
      %swap3A_544 = arith.index_cast %add3A_60 : i32 to index
      %swap3A_545 = arith.constant 32 : index
      %swap3A_546 = tpu.vector_load %arg14[%swap3A_544, %swap3A_545] {strides = array<i32>} : memref<64x64xf32, #tpu.memory_space<vmem>>, vector<16xf32>,
      tpu.vector_store %arg14[%swap3A_544, %swap3A_545], %parallel_loop3A_537#2 {strides = array<i32>} : memref<64x64xf32, #tpu.memory_space<vmem>>, vector<16xf32>,
      %swap3A_547 = arith.index_cast %add3A_60 : i32 to index
      %swap3A_548 = arith.constant 48 : index
      %swap3A_549 = tpu.vector_load %arg14[%swap3A_547, %swap3A_548] {strides = array<i32>} : memref<64x64xf32, #tpu.memory_space<vmem>>, vector<16xf32>,
      tpu.vector_store %arg14[%swap3A_547, %swap3A_548], %parallel_loop3A_537#3 {strides = array<i32>} : memref<64x64xf32, #tpu.memory_space<vmem>>, vector<16xf32>,
    }
    %scan3A_34 = arith.constant 32 : i32
    %dma_wait3A = arith.constant 0 : i32
    %dma_wait3A_35 = arith.constant 0 : i32
    %dma_wait3A_36 = arith.constant 0 : i32
    %dma_wait3A_37 = tpu.memref_slice %arg11[%dma_wait3A, %dma_wait3A_35, %dma_wait3A_36] : memref<2x64x128xf32, #tpu.memory_space<vmem>> -> memref<1x64x128xf32, #tpu.memory_space<vmem>>
    %dma_wait3A_38 = tpu.memref_squeeze %dma_wait3A_37 : memref<1x64x128xf32, #tpu.memory_space<vmem>> -> memref<64x128xf32, #tpu.memory_space<vmem>>
    %dma_wait3A_39 = arith.constant 4032 : i32
    %dma_wait3A_40 = tpu.memref_slice %arg8[%dma_wait3A_39] : memref<4096xi32, #tpu.memory_space<vmem>> -> memref<64xi32, #tpu.memory_space<vmem>>
    %dma_wait3A_41 = arith.constant 0 : i32
    %dma_wait3A_42 = arith.constant 0 : i32
    %dma_wait3A_43 = tpu.memref_slice %arg2[%dma_wait3A_41, %dma_wait3A_42] : memref<51200x128xf32, #tpu.memory_space<hbm>> -> memref<51200x128xf32, #tpu.memory_space<hbm>>
    tpu.wait_indirect_dma semaphore(%arg15 : memref<!tpu.dma_semaphore, #tpu.memory_space<semaphore_mem>>) src(%dma_wait3A_43 : memref<51200x128xf32, #tpu.memory_space<hbm>>) dst(%dma_wait3A_38 : memref<64x128xf32, #tpu.memory_space<vmem>>)
    %dma_wait3A_44 = arith.constant 0 : i32
    %dma_wait3A_45 = arith.constant 0 : i32
    %dma_wait3A_46 = tpu.memref_slice %arg10[%dma_wait3A_44, %dma_wait3A_45] : memref<2x64xf32, #tpu.memory_space<vmem>> -> memref<1x64xf32, #tpu.memory_space<vmem>>
    %dma_wait3A_47 = tpu.memref_squeeze %dma_wait3A_46 : memref<1x64xf32, #tpu.memory_space<vmem>> -> memref<64xf32, #tpu.memory_space<vmem>>
    %dma_wait3A_48 = arith.constant 4032 : i32
    %dma_wait3A_49 = tpu.memref_slice %arg7[%dma_wait3A_48] : memref<4112xi32, #tpu.memory_space<vmem>> -> memref<64xi32, #tpu.memory_space<vmem>>
    %dma_wait3A_50 = arith.constant 0 : i32
    %dma_wait3A_51 = tpu.memref_slice %arg3[%dma_wait3A_50] : memref<102400xf32, #tpu.memory_space<hbm>> -> memref<102400xf32, #tpu.memory_space<hbm>>
    tpu.wait_indirect_dma semaphore(%arg15 : memref<!tpu.dma_semaphore, #tpu.memory_space<semaphore_mem>>) src(%dma_wait3A_51 : memref<102400xf32, #tpu.memory_space<hbm>>) dst(%dma_wait3A_47 : memref<64xf32, #tpu.memory_space<vmem>>)
    "tpu.region"() ({
      %run_scoped3A = tpu.sem_alloc : memref<!tpu.dma_semaphore, #tpu.memory_space<semaphore_mem>>
      %dma_start3A_52 = arith.constant 0 : i32
      %dma_start3A_53 = tpu.memref_slice %arg6[%mul3A_2, %dma_start3A_52] : memref<2048x64xf32, #tpu.memory_space<hbm>> -> memref<64x64xf32, #tpu.memory_space<hbm>>
      %dma_start3A_54 = arith.constant 0 : i32
      %dma_start3A_55 = tpu.memref_slice %arg6[%mul3A_2, %dma_start3A_54] : memref<2048x64xf32, #tpu.memory_space<hbm>> -> memref<64x64xf32, #tpu.memory_space<hbm>>
      tpu.enqueue_dma source(%arg14 : memref<64x64xf32, #tpu.memory_space<vmem>>) target(%dma_start3A_55 : memref<64x64xf32, #tpu.memory_space<hbm>>) target_semaphore(%run_scoped3A : memref<!tpu.dma_semaphore, #tpu.memory_space<semaphore_mem>>)
      %dma_wait3A_56 = arith.constant 0 : i32
      %dma_wait3A_57 = tpu.memref_slice %arg6[%mul3A_2, %dma_wait3A_56] : memref<2048x64xf32, #tpu.memory_space<hbm>> -> memref<64x64xf32, #tpu.memory_space<hbm>>
      %dma_wait3A_58 = arith.constant 0 : i32
      %dma_wait3A_59 = tpu.memref_slice %arg6[%mul3A_2, %dma_wait3A_58] : memref<2048x64xf32, #tpu.memory_space<hbm>> -> memref<64x64xf32, #tpu.memory_space<hbm>>
      tpu.wait_dma2 semaphore(%run_scoped3A : memref<!tpu.dma_semaphore, #tpu.memory_space<semaphore_mem>>) src(%arg14 : memref<64x64xf32, #tpu.memory_space<vmem>>) dst(%dma_wait3A_59 : memref<64x64xf32, #tpu.memory_space<hbm>>)
      tpu.yield
    }) : () -> ()
    return
  }
}

module attributes {stable_mosaic.version = 14 : i64} {
  func.func @_ell_body(%arg0: i32, %arg1: memref<64x2048xf32, #tpu.memory_space<vmem>>, %arg2: memref<64x2048xf32, #tpu.memory_space<vmem>>, %arg3: memref<64x64xf32, #tpu.memory_space<vmem>>, %arg4: memref<64x1xf32, #tpu.memory_space<vmem>>, %arg5: memref<64x1xf32, #tpu.memory_space<vmem>>, %arg6: memref<50x2048xf32, #tpu.memory_space<vmem>>, %arg7: memref<2048x128xf32, #tpu.memory_space<vmem>>) attributes {dimension_semantics = [#tpu.dimension_semantics<arbitrary>], iteration_bounds = array<i64: 25>, scalar_prefetch = 0 : i64, scratch_operands = 0 : i64, tpu.core_type = #tpu.core_type<tc>, window_params = [{transform_indices = @transform_0, window_bounds = array<i64: 64, 2048>}, {transform_indices = @transform_1, window_bounds = array<i64: 64, 2048>}, {pipeline_mode = #tpu.pipeline_mode<synchronous>, transform_indices = @transform_2, window_bounds = array<i64: 64, 64>}, {pipeline_mode = #tpu.pipeline_mode<synchronous>, transform_indices = @transform_3, window_bounds = array<i64: 64, 1>}, {pipeline_mode = #tpu.pipeline_mode<synchronous>, transform_indices = @transform_4, window_bounds = array<i64: 64, 1>}, {pipeline_mode = #tpu.pipeline_mode<synchronous>, transform_indices = @transform_5, window_bounds = array<i64: 50, 2048>}, {transform_indices = @transform_6, window_bounds = array<i64: 2048, 128>}]} {
    %get3A = arith.constant 0 : index
    %get3A_0 = arith.constant 0 : index
    %get3A_1 = vector.load %arg1[%get3A, %get3A_0] : memref<64x2048xf32, #tpu.memory_space<vmem>>, vector<64x2048xf32>
    %get3A_2 = arith.constant 0 : index
    %get3A_3 = arith.constant 0 : index
    %get3A_4 = vector.load %arg3[%get3A_2, %get3A_3] : memref<64x64xf32, #tpu.memory_space<vmem>>, vector<64x64xf32>
    %dot_general3A = arith.constant dense<0.000000e+00> : vector<64x2048xf32>
    %dot_general3A_5 = tpu.matmul %get3A_4, %get3A_1, %dot_general3A {dimension_numbers = #tpu.dot_dimension_numbers<[0], [0], [1], [1], [0, 1, 1, 1], [], []>, transpose_lhs_hint = false} : vector<64x64xf32>, vector<64x2048xf32>, vector<64x2048xf32> -> vector<64x2048xf32>
    %get3A_6 = arith.constant 0 : index
    %get3A_7 = arith.constant 0 : index
    %get3A_8 = vector.load %arg4[%get3A_6, %get3A_7] : memref<64x1xf32, #tpu.memory_space<vmem>>, vector<64x1xf32>
    %add3A = vector.broadcast %get3A_8 : vector<64x1xf32> to vector<64x2048xf32>
    %add3A_9 = arith.addf %dot_general3A_5, %add3A : vector<64x2048xf32>
    %neg3A = arith.constant 0.000000e+00 : f32
    %neg3A_10 = vector.broadcast %neg3A : f32 to vector<64x2048xf32>
    %neg3A_11 = arith.subf %neg3A_10, %add3A_9 : vector<64x2048xf32>
    %exp3A = math.exp %neg3A_11 : vector<64x2048xf32>
    %add3A_12 = arith.constant 1.000000e+00 : f32
    %add3A_13 = vector.broadcast %add3A_12 : f32 to vector<64x2048xf32>
    %add3A_14 = arith.addf %add3A_13, %exp3A : vector<64x2048xf32>
    %div3A = arith.constant 1.000000e+00 : f32
    %div3A_15 = vector.broadcast %div3A : f32 to vector<64x2048xf32>
    %div3A_16 = arith.divf %div3A_15, %add3A_14 : vector<64x2048xf32>
    %get3A_17 = arith.constant 0 : index
    %get3A_18 = arith.constant 0 : index
    %get3A_19 = vector.load %arg5[%get3A_17, %get3A_18] : memref<64x1xf32, #tpu.memory_space<vmem>>, vector<64x1xf32>
    %dot_general3A_20 = arith.constant dense<0.000000e+00> : vector<1x2048xf32>
    %dot_general3A_21 = tpu.matmul %get3A_19, %div3A_16, %dot_general3A_20 {dimension_numbers = #tpu.dot_dimension_numbers<[0], [0], [1], [1], [0, 1, 1, 1], [], []>, transpose_lhs_hint = false} : vector<64x1xf32>, vector<64x2048xf32>, vector<1x2048xf32> -> vector<1x2048xf32>
    %add3A_22 = arith.constant 0 : i32
    %add3A_23 = arith.addi %arg0, %add3A_22 : i32
    %swap3A = arith.index_cast %add3A_23 : i32 to index
    %swap3A_24 = arith.constant 0 : index
    %swap3A_25 = vector.load %arg6[%swap3A, %swap3A_24] : memref<50x2048xf32, #tpu.memory_space<vmem>>, vector<1x2048xf32>
    tpu.vector_store %arg6[%swap3A, %swap3A_24], %dot_general3A_21 {strides = array<i32>} : memref<50x2048xf32, #tpu.memory_space<vmem>>, vector<1x2048xf32>,
    %transpose3A = tpu.transpose %get3A_1, [1, 0] : vector<64x2048xf32> -> vector<2048x64xf32>
    %swap3A_26 = arith.constant 0 : index
    %swap3A_27 = arith.constant 0 : index
    %swap3A_28 = vector.load %arg7[%swap3A_26, %swap3A_27] : memref<2048x128xf32, #tpu.memory_space<vmem>>, vector<2048x64xf32>
    tpu.vector_store %arg7[%swap3A_26, %swap3A_27], %transpose3A {strides = array<i32>} : memref<2048x128xf32, #tpu.memory_space<vmem>>, vector<2048x64xf32>,
    %get3A_29 = arith.constant 0 : index
    %get3A_30 = arith.constant 0 : index
    %get3A_31 = vector.load %arg2[%get3A_29, %get3A_30] : memref<64x2048xf32, #tpu.memory_space<vmem>>, vector<64x2048xf32>
    %get3A_32 = arith.constant 0 : index
    %get3A_33 = arith.constant 0 : index
    %get3A_34 = vector.load %arg3[%get3A_32, %get3A_33] : memref<64x64xf32, #tpu.memory_space<vmem>>, vector<64x64xf32>
    %dot_general3A_35 = arith.constant dense<0.000000e+00> : vector<64x2048xf32>
    %dot_general3A_36 = tpu.matmul %get3A_34, %get3A_31, %dot_general3A_35 {dimension_numbers = #tpu.dot_dimension_numbers<[0], [0], [1], [1], [0, 1, 1, 1], [], []>, transpose_lhs_hint = false} : vector<64x64xf32>, vector<64x2048xf32>, vector<64x2048xf32> -> vector<64x2048xf32>
    %get3A_37 = arith.constant 0 : index
    %get3A_38 = arith.constant 0 : index
    %get3A_39 = vector.load %arg4[%get3A_37, %get3A_38] : memref<64x1xf32, #tpu.memory_space<vmem>>, vector<64x1xf32>
    %add3A_40 = vector.broadcast %get3A_39 : vector<64x1xf32> to vector<64x2048xf32>
    %add3A_41 = arith.addf %dot_general3A_36, %add3A_40 : vector<64x2048xf32>
    %neg3A_42 = arith.constant 0.000000e+00 : f32
    %neg3A_43 = vector.broadcast %neg3A_42 : f32 to vector<64x2048xf32>
    %neg3A_44 = arith.subf %neg3A_43, %add3A_41 : vector<64x2048xf32>
    %exp3A_45 = math.exp %neg3A_44 : vector<64x2048xf32>
    %add3A_46 = arith.constant 1.000000e+00 : f32
    %add3A_47 = vector.broadcast %add3A_46 : f32 to vector<64x2048xf32>
    %add3A_48 = arith.addf %add3A_47, %exp3A_45 : vector<64x2048xf32>
    %div3A_49 = arith.constant 1.000000e+00 : f32
    %div3A_50 = vector.broadcast %div3A_49 : f32 to vector<64x2048xf32>
    %div3A_51 = arith.divf %div3A_50, %add3A_48 : vector<64x2048xf32>
    %get3A_52 = arith.constant 0 : index
    %get3A_53 = arith.constant 0 : index
    %get3A_54 = vector.load %arg5[%get3A_52, %get3A_53] : memref<64x1xf32, #tpu.memory_space<vmem>>, vector<64x1xf32>
    %dot_general3A_55 = arith.constant dense<0.000000e+00> : vector<1x2048xf32>
    %dot_general3A_56 = tpu.matmul %get3A_54, %div3A_51, %dot_general3A_55 {dimension_numbers = #tpu.dot_dimension_numbers<[0], [0], [1], [1], [0, 1, 1, 1], [], []>, transpose_lhs_hint = false} : vector<64x1xf32>, vector<64x2048xf32>, vector<1x2048xf32> -> vector<1x2048xf32>
    %add3A_57 = arith.constant 25 : i32
    %add3A_58 = arith.addi %arg0, %add3A_57 : i32
    %swap3A_59 = arith.index_cast %add3A_58 : i32 to index
    %swap3A_60 = arith.constant 0 : index
    %swap3A_61 = vector.load %arg6[%swap3A_59, %swap3A_60] : memref<50x2048xf32, #tpu.memory_space<vmem>>, vector<1x2048xf32>
    tpu.vector_store %arg6[%swap3A_59, %swap3A_60], %dot_general3A_56 {strides = array<i32>} : memref<50x2048xf32, #tpu.memory_space<vmem>>, vector<1x2048xf32>,
    %transpose3A_62 = tpu.transpose %get3A_31, [1, 0] : vector<64x2048xf32> -> vector<2048x64xf32>
    %swap3A_63 = arith.constant 0 : index
    %swap3A_64 = arith.constant 64 : index
    %swap3A_65 = vector.load %arg7[%swap3A_63, %swap3A_64] : memref<2048x128xf32, #tpu.memory_space<vmem>>, vector<2048x64xf32>
    tpu.vector_store %arg7[%swap3A_63, %swap3A_64], %transpose3A_62 {strides = array<i32>} : memref<2048x128xf32, #tpu.memory_space<vmem>>, vector<2048x64xf32>,
    return
  }
  func.func @transform_0(%arg0: i32) -> (i32, i32) {
    %c0_i32 = arith.constant 0 : i32
    %c0_i32_0 = arith.constant 0 : i32
    return %c0_i32, %arg0 : i32, i32
  }
  func.func @transform_1(%arg0: i32) -> (i32, i32) {
    %add3A = arith.constant 25 : i32
    %add3A_0 = arith.addi %arg0, %add3A : i32
    %min3A = arith.constant 48 : i32
    %min3A_1 = arith.minsi %add3A_0, %min3A : i32
    %c0_i32 = arith.constant 0 : i32
    %c0_i32_2 = arith.constant 0 : i32
    return %c0_i32, %min3A_1 : i32, i32
  }
  func.func @transform_2(%arg0: i32) -> (i32, i32) {
    %c0_i32 = arith.constant 0 : i32
    %c0_i32_0 = arith.constant 0 : i32
    %c0_i32_1 = arith.constant 0 : i32
    return %c0_i32, %c0_i32_0 : i32, i32
  }
  func.func @transform_3(%arg0: i32) -> (i32, i32) {
    %c0_i32 = arith.constant 0 : i32
    %c0_i32_0 = arith.constant 0 : i32
    %c0_i32_1 = arith.constant 0 : i32
    return %c0_i32, %c0_i32_0 : i32, i32
  }
  func.func @transform_4(%arg0: i32) -> (i32, i32) {
    %c0_i32 = arith.constant 0 : i32
    %c0_i32_0 = arith.constant 0 : i32
    %c0_i32_1 = arith.constant 0 : i32
    return %c0_i32, %c0_i32_0 : i32, i32
  }
  func.func @transform_5(%arg0: i32) -> (i32, i32) {
    %c0_i32 = arith.constant 0 : i32
    %c0_i32_0 = arith.constant 0 : i32
    %c0_i32_1 = arith.constant 0 : i32
    return %c0_i32, %c0_i32_0 : i32, i32
  }
  func.func @transform_6(%arg0: i32) -> (i32, i32) {
    %c0_i32 = arith.constant 0 : i32
    %c0_i32_0 = arith.constant 0 : i32
    return %arg0, %c0_i32 : i32, i32
  }
}

</mosaic_0001>

<sc_bundles>
// kernel: kernel.4.cloned.1.call-start
scs
__scs_entry_jumppad:
0x0: {  	(pc) =	sbr.rel $0x88, $3  }
0x1: {  	(tag) =	ssettag $0x0;
	lr =	simm.s32 $0x1  }
0x2: {  	[smem:$0x3F9B] =	sst lr;
	_ =	strace $0xD0000000  }
0x3: {  	_ = 	snop  }
0x4: {  	_ = 	snop  }
0x5: {  	_ = 	snop  }
0x6: {  	_ = 	snop  }
0x7: {  	_ = 	snop  }
__scs_overlays_trampoline_lowered:
0x8: {  	[smem:$0x3FAA] =	sst s0  }
0x9: {  	[smem:$0x3FAB] =	sst s1  }
0xa: {  	[smem:$0x3FAC] =	sst s2  }
0xb: {  	[smem:$0x3FAD] =	sst s3  }
0xc: {  	[smem:$0x3FAE] =	sst s4  }
0xd: {  	[smem:$0x3FAF] =	sst s5  }
0xe: {  	[smem:$0x3FB0] =	sst s6  }
0xf: {  	[smem:$0x3FB1] =	sst s7  }
0x10: {  	[smem:$0x3FB2] =	sst s8  }
0x11: {  	[smem:$0x3FB3] =	sst s9;
	s0 =	simm.s32 @!p0 $0x0  }
0x12: {  	s1 =	sld [smem:$0x3F99];
	s0 =	simm.s32 @p0 $0x1  }
0x13: {  	[smem:$0x3FB4] =	sst s0;
	s0 =	simm.s32 @!p1 $0x0  }
0x14: {  	s2 =	sld [smem:$0x3F98];
	s0 =	simm.s32 @p1 $0x1  }
0x15: {  	[smem:$0x3FB5] =	sst s0;
	s0 =	simm.s32 @!p2 $0x0  }
0x16: {  	s3 =	sld [smem:$0x3FDB];
	s0 =	simm.s32 @p2 $0x1  }
0x17: {  	s4 =	simm.s32 $0x1BF5;
	[smem:$0x3FB7] =	sst s0  }
0x18: {  	s0 =	sld [smem:$0x3F9A];
	_ =	swait.ge [sflag:s4], $0x0  }
0x19: {  	s7 =	sld [smem:$0x3F9B]  }
0x1a: {  	s8 =	sadd.s32 $0xFFFFE003, lr  }
0x1b: {  	s9 =	sadd.s32 $0xFFFFFEF7, lr;
	s5 =	simm.s32 $0xFFFFFFFF;
	p2 =	slt.u32 s8, $0xFFFFF086  }
0x1c: {  	p1 =	slt.u32 s9, $0xF7A;
	s5 =	simm.s32 @!p2 $0x0  }
0x1d: {  	s5 =	simm.s32 @p1 $0x1;
	p0 =	seq.s32 s7, s2  }
0x1e: {  	s7 =	smul.u32 @!p0 $0xF7A, s2;
	p2 =	seq.s32 @!p0 s5, $0x0  }
0x1f: {  	s9 =	smul.u32 $0xF7A, s1;
	s8 =	simm.s32 @!p0 $0x1BF5;
	p2 =	por !p2, p0  }
0x20: {  	[sflag:s8] =	ssyncset.s32 @!p0 $0xFFFFF086;
	s6 =	sadd.s32 @!p0 s3, s7;
	s7 =	simm.s32 @!p0 $0x108  }
0x21: {  	s3 =	sadd.s32 s3, s9;
	s6 =	sadd.s32 @!p0 $0x88, s6;
	s7 =	simm.s32 @p2 $0x1082  }
0x22: {  	[simem:s7], [sflag:s8] =	dma.local @!p0 [hbm:s6], $0xF7A  }
0x23: {  	s9 =	sor.u32 $0xD0000000, s2;
	s6 =	simm.s32 $0x108;
	_ =	swait.ge @!p0 [sflag:s8], $0x0  }
0x24: {  	s3 =	sadd.s32 $0x88, s3;
	s6 =	simm.s32 @!p1 $0x1082;
	[sflag:s4] =	ssyncset.s32 $0xFFFFF086  }
0x25: {  	[simem:s6], [sflag:s4] =	dma.local [hbm:s3], $0xF7A  }
0x26: {  	[smem:$0x3F9B] =	sst s1;
	(tag) =	ssettag s2;
	_ =	strace s9  }
0x27: {  	s1 =	sld [smem:$0x3FAB]  }
0x28: {  	s2 =	sld [smem:$0x3FAC]  }
0x29: {  	s4 =	sld [smem:$0x3FAE]  }
0x2a: {  	p0 =	seq.s32 s5, $0x0;
	s5 =	sld [smem:$0x3FAF]  }
0x2b: {  	s6 =	sld [smem:$0x3FB0]  }
0x2c: {  	s7 =	sld [smem:$0x3FB1]  }
0x2d: {  	s3 =	simm.s32 $0x108;
	s8 =	sld [smem:$0x3FB2]  }
0x2e: {  	s3 =	simm.s32 @!p0 $0x1082;
	s9 =	sld [smem:$0x3FB3]  }
0x2f: {  	lr =	sadd.s32 s0, s3;
	s0 =	sld [smem:$0x3FAA]  }
0x30: {  	s3 =	sld [smem:$0x3FAD]  }
0x31: {  	[smem:$0x3FB6] =	sst s10  }
0x32: {  	s10 =	sld [smem:$0x3FB4];
	_ =	sdelay $0x3  }
0x33: {  	p0 =	seq.s32 s10, $0x1;
	s10 =	sld [smem:$0x3FB6];
	_ =	sdelay $0x3  }
0x34: {  	[smem:$0x3FB6] =	sst s10  }
0x35: {  	s10 =	sld [smem:$0x3FB5];
	_ =	sdelay $0x3  }
0x36: {  	p1 =	seq.s32 s10, $0x1;
	s10 =	sld [smem:$0x3FB6];
	_ =	sdelay $0x3  }
0x37: {  	[smem:$0x3FB6] =	sst s10  }
0x38: {  	s10 =	sld [smem:$0x3FB7]  }
0x39: {  	_ = 	snop;
	(pc) =	sbr.ind lr, $3  }
0x3a: {  	_ = 	snop  }
0x3b: {  	_ = 	snop  }
0x3c: {  	p2 =	seq.s32 s10, $0x1;
	s10 =	sld [smem:$0x3FB6]  }
0x3d: {  	_ =	shalt  }
0x3e: {  	_ =	shalt  }
0x3f: {  	_ =	shalt  }
0x40: {  	_ =	shalt  }
0x41: {  	_ =	shalt  }
0x42: {  	_ =	shalt  }
0x43: {  	_ =	shalt  }
0x44: {  	_ =	shalt  }
0x45: {  	_ =	shalt  }
0x46: {  	_ =	shalt  }
0x47: {  	_ =	shalt  }
0x48: {  	_ =	shalt  }
0x49: {  	_ =	shalt  }
0x4a: {  	_ =	shalt  }
0x4b: {  	_ =	shalt  }
0x4c: {  	_ =	shalt  }
0x4d: {  	_ =	shalt  }
0x4e: {  	_ =	shalt  }
0x4f: {  	_ =	shalt  }
0x50: {  	_ =	shalt  }
0x51: {  	_ =	shalt  }
0x52: {  	_ =	shalt  }
0x53: {  	_ =	shalt  }
0x54: {  	_ =	shalt  }
0x55: {  	_ =	shalt  }
0x56: {  	_ =	shalt  }
0x57: {  	_ =	shalt  }
0x58: {  	_ =	shalt  }
0x59: {  	_ =	shalt  }
0x5a: {  	_ =	shalt  }
0x5b: {  	_ =	shalt  }
0x5c: {  	_ =	shalt  }
0x5d: {  	_ =	shalt  }
0x5e: {  	_ =	shalt  }
0x5f: {  	_ =	shalt  }
0x60: {  	_ =	shalt  }
0x61: {  	_ =	shalt  }
0x62: {  	_ =	shalt  }
0x63: {  	_ =	shalt  }
0x64: {  	_ =	shalt  }
0x65: {  	_ =	shalt  }
0x66: {  	_ =	shalt  }
0x67: {  	_ =	shalt  }
0x68: {  	_ =	shalt  }
0x69: {  	_ =	shalt  }
0x6a: {  	_ =	shalt  }
0x6b: {  	_ =	shalt  }
0x6c: {  	_ =	shalt  }
0x6d: {  	_ =	shalt  }
0x6e: {  	_ =	shalt  }
0x6f: {  	_ =	shalt  }
0x70: {  	_ =	shalt  }
0x71: {  	_ =	shalt  }
0x72: {  	_ =	shalt  }
0x73: {  	_ =	shalt  }
0x74: {  	_ =	shalt  }
0x75: {  	_ =	shalt  }
0x76: {  	_ =	shalt  }
0x77: {  	_ =	shalt  }
0x78: {  	_ =	shalt  }
0x79: {  	_ =	shalt  }
0x7a: {  	_ =	shalt  }
0x7b: {  	_ =	shalt  }
0x7c: {  	_ =	shalt  }
0x7d: {  	_ =	shalt  }
0x7e: {  	_ =	shalt  }
0x7f: {  	_ =	shalt  }
0x80: {  	_ =	shalt  }
0x81: {  	_ =	shalt  }
0x82: {  	_ =	shalt  }
0x83: {  	_ =	shalt  }
0x84: {  	_ =	shalt  }
0x85: {  	_ =	shalt  }
0x86: {  	_ =	shalt  }
0x87: {  	_ =	shalt  }
.Lfunc_end0:
.L_simem_size_0:
called_computation_lowered:
.L_overlay_start_0:
0x88: {  	s2 =	sld [smem:$0x3FD9]  }
0x89: {  	s3 =	sld [smem:$0x3FFE];
	_ =	sdelay $0x1  }
0x8a: {  	s1 =	srdreg.scid  }
0x8b: {  	s0 =	sand.u32 $0x1, s1  }
0x8c: {  	s17 =	sshll.u32 s0, $0xA;
	s2 =	sadd.s32 s3, s2  }
0x8d: {  	s2 =	sadd.s32 s2, s17  }
0x8e: {  	[smem:$0x3FC2] =	sst s2  }
0x8f: {  	_ = 	snop  }
0x90: {  	s2 =	sld [smem:$0x3FC8]  }
0x91: {  	s18 =	sld [smem:$0x3FD0];
	(tm) =	ssettm $0x1  }
0x92: {  	s4 =	sld [smem:$0x3FFB];
	_ =	sdelay $0x3  }
0x93: {  	_ =	strace s4  }
0x94: {  	s4 =	sld [smem:$0x3FFC];
	_ =	sdelay $0x3  }
0x95: {  	_ =	strace s4  }
0x96: {  	s4 =	sld [smem:$0x3FFD];
	_ =	sdelay $0x3  }
0x97: {  	_ =	strace s4  }
0x98: {  	_ =	strace $0x8FFFFFFF  }
0x99: {  	s19 =	sld [smem:$0x3FDB];
	_ =	sdelay $0x1  }
0x9a: {  	s5 =	simm.s32 $_scs_section_size  }
0x9b: {  	s6 =	simm.s32 $_size__tile_overlayer_lowered;
	s7 =	simm.s32 $_tile_overlayer_lowered  }
0x9c: {  	s22 =	simm.s32 $0x1BFF;
	s21 =	sshll.u32 s7, $0x1;
	s4 =	sadd.s32 s5, s19  }
0x9d: {  	s8 =	simm.s32 $0x0;
	s20 =	sshll.u32 s6, $0x1;
	s6 =	sadd.s32 s21, s4  }
0x9e: {  	[timem:s8], [sflag:s22] =	dma.local [hbm:s6], s20  }
0x9f: {  	_ =	swait.ge [sflag:s22], s20  }
0xa0: {  	s5 =	ssub.s32 $0x0, s20;
	[sflag:s22] =	ssyncset.done $0x0  }
0xa1: {  	[sflag:s22] =	ssyncadd.s32 s5;
	_ =	sdelay $0x1  }
0xa2: {  	s23 =	simm.s32 $0x1B8B  }
0xa3: {  	_ =	swait.ge [sflag:s23], $0x1  }
0xa4: {  	[sflag:s23] =	ssyncset.done $0x0  }
0xa5: {  	s25 =	simm.s32 $0x1B8E;
	s24 =	sld [smem:$0x3FFE];
	[sflag:s23] =	ssyncadd.s32 $0xFFFFFFFF  }
0xa6: {  	s26 =	simm.s32 $execute0_lowered;
	[smem:$0x3FD2] =	sst s25  }
0xa7: {  	s6 =	sshll.u32 s26, $0x1;
	_ =	strace $0x80000046;
	[dreg:$0x1] =	wrdreg $0xFFFFFFFF  }
0xa8: {  	s28 =	simm.s32 $_size_execute0_lowered;
	s4 =	sadd.s32 s4, s6;
	[dreg:$0x0] =	wrdreg $0x0  }
0xa9: {  	s6 =	sshll.u32 s28, $0x1;
	[dreg:$0x2] =	wrdreg s4  }
0xaa: {  	[dreg:$0x3] =	wrdreg s6  }
0xab: {  	[dreg:$0x4] =	wrdreg $0xC0  }
0xac: {  	_ =	task [dreg:s8], $0x5FFFF  }
0xad: {  	[dreg:$0x1] =	wrdreg $0xFFFFFFFF  }
0xae: {  	[dreg:$0x0] =	wrdreg $0x60  }
0xaf: {  	[dreg:$0x2] =	wrdreg s24  }
0xb0: {  	[dreg:$0x3] =	wrdreg s18  }
0xb1: {  	[dreg:$0x4] =	wrdreg s2  }
0xb2: {  	[dreg:$0x5] =	wrdreg $0x9  }
0xb3: {  	_ =	task.clear_ibuf [dreg:s8], $0x6FFFF;
	_ =	strace $0x90000046  }
0xb4: {  	s29 =	simm.s32 $0x9;
	_ =	strace $0x80000048  }
0xb5: {  	_ =	swait.ge [sflag:s29], $0x1  }
0xb6: {  	[sflag:s29] =	ssyncadd.s32 $0xFFFFFFFF  }
0xb7: {  	_ =	strace $0x90000048  }
0xb8: {  	_ =	sfence  }
0xb9: {  	s30 =	sld [smem:$0x0];
	_ =	sdelay $0x2  }
0xba: {  	s31 =	sshll.u32 s1, $0xD;
	s1 =	sshrl.u32 s1, $0x2  }
0xbb: {  	s3 =	sand.u32 $0x4000, s31;
	s1 =	sadd.s32 s1, s30  }
0xbc: {  	s0 =	sor.u32 s3, s0;
	s1 =	sshll.u32 s1, $0x11  }
0xbd: {  	s0 =	sor.u32 s1, s0  }
0xbe: {  	s0 =	sadd.s32 $0x8F2B, s0  }
0xbf: {  	[sflag:s0] =	ssyncadd.remote.s32 $0x1  }
0xc0: {  	_ =	sfence.sel $0xFFFF  }
0xc1: {  	[dreg:$0x0] =	wrdreg $0xFFFFFFFF;
	(pc) =	sbr.abs _section_cstart, $3  }
0xc2: {  	[dreg:$0x1] =	wrdreg $0xFFFFFFFF  }
0xc3: {  	_ =	task.clear_ibuf [dreg:s8], $0x2FFFF;
	_ =	strace $0x9FFFFFFF  }
0xc4: {  	(tm) =	ssettm $0x7FFFFFFF  }
0xc5: {  	_ =	shalt  }
tec
execute0_lowered:
.L_overlay_start_1:
0x0: {  	(tag) =	ssettag $0x1  }
0x1: {  	s0 =	rddreg [dreg:$0x0]  }
0x2: {  	s1 =	rddreg [dreg:$0x1]  }
0x3: {  	s2 =	rddreg [dreg:$0x2];
	s5 =	simm.s32 $0x0;
	s3 =	srdreg.scid  }
0x4: {  	s4 =	stileid.u32;
	[smem:$0x7FF] =	sst s5  }
0x5: {  	s28 =	sand.u32 $0x1, s3;
	s4 =	sshll.u32 s4, $0x1;
	s18 =	sadd.s32 $0x800, s0  }
0x6: {  	s21 =	sadd.s32 $0xC8800, s0;
	_ =	strace $0x80000047;
	[dreg:$0x18] =	wrdreg s18  }
0x7: {  	s6 =	sor.u32 s28, s4;
	s5 =	ssub.s32 $0x2, s28;
	[dreg:$0x19] =	wrdreg s21  }
0x8: {  	s7 =	sshll.u32 s6, $0xA;
	s29 =	sshrl.u32 s5, $0x1;
	s8 =	sshll.u32 s6, $0x9  }
.Ltmp0:
0x9: {  	s30 =	sshll.u32 s6, $0x3;
	s1 =	sadd.s32 s1, s8;
	(pc) =	sbr.rel .LBB2_1-.Ltmp0, $4  }
0xa: {  	s0 =	sadd.s32 s7, s0;
	[dreg:$0x1a] =	wrdreg s1;
	s1 =	sadd.s32 s2, s30  }
0xb: {  	s5 =	ssub.s32 s5, s29;
	s0 =	sadd.s32 $0xCBA00, s0;
	[dreg:$0x1b] =	wrdreg s1  }
0xc: {  	s22 =	simm.s32 $0x40;
	v0 =	vlaneseq.u32;
	v1 =	vimm.s32 $0xFFFF3800;
	v5 =	vimm.s32 $0x0;
	s31 =	smax.u32 s5, $0x1;
	[dreg:$0x1c] =	wrdreg s0  }
0xd: {  	v2 =	vor.u32 $0x10, v0;
	v3 =	vor.u32 $0x20, v0;
	v4 =	vor.u32 $0x30, v0;
	s2 =	simm.s32 $0x0;
	s0 =	simm.s32 $0x0;
	[dreg:$0x1d] =	wrdreg s31  }
.LBB2_21:
0xe: {  	s0 =	simm.s32 $0x1  }
0xf: {  	_ =	swait.ge [sflag:s0], $0x2000  }
0x10: {  	[sflag:s0] =	ssyncset.done $0x0  }
0x11: {  	[sflag:s0] =	ssyncadd.s32 $0xFFFFE000  }
0x12: {  	_ =	swait.ge [sflag:s0], $0x40  }
0x13: {  	s2 =	simm.s32 $0x6300;
	s28 =	simm.s32 $0x3;
	[sflag:s0] =	ssyncset.done $0x0  }
0x14: {  	s1 =	rddreg [dreg:$0x1c];
	[sflag:s0] =	ssyncadd.s32 $0xFFFFFFC0;
	s0 =	simm.s32 $0x0  }
0x15: {  	[hbm4b:s1+s0] =	stream.linear.scatter [tilespmem:s2], [sflag:$0x3], $0x2000, $0x38;
	[tilespmem:$0x8300] =	vst v63  }
0x16: {  	_ =	swait.ge [sflag:s28], $0x2000  }
0x17: {  	s29 =	rddreg [dreg:$0x1e]  }
0x18: {  	s30 =	rddreg [dreg:$0x1d];
	s2 =	sadd.s32 $0x1, s29  }
0x19: {  	p0 =	sne.s32 s2, s30  }
.Ltmp1:
0x1a: {  	_ = 	snop;
	(pc) =	sbr.rel @!p0 .LBB2_22-.Ltmp1, $3  }
0x1b: {  	_ =	sdelay $0x1  }
0x1c: {  	s31 =	simm.s32 $0x3;
	[sflag:s28] =	ssyncset.done $0x0  }
0x1d: {  	[sflag:s31] =	ssyncadd.s32 $0xFFFFE000  }
.LBB2_1:
0x1e: {  	[dreg:$0x1e] =	wrdreg s2  }
0x1f: {  	s30 =	simm.s32 $0x3;
	s1 =	rddreg [dreg:$0x1a]  }
0x20: {  	[tilespmem:s0], [sflag:$0x3] =	stream.linear.gather [hbm4b:s1+s0], $0x1000, $0x38;
	[tilespmem:$0x8300] =	vst v63  }
0x21: {  	_ =	swait.ge [sflag:s30], $0x1000  }
0x22: {  	[sflag:s30] =	ssyncset.done $0x0  }
0x23: {  	s3 =	simm.s32 $0x2080;
	s31 =	rddreg [dreg:$0x1b];
	[sflag:s30] =	ssyncadd.s32 $0xFFFFF000  }
0x24: {  	[tilespmem:s3], [sflag:$0x3] =	stream.linear.gather [hbm4b:s31+s0], $0x40, $0x38;
	[tilespmem:$0x8300] =	vst v63  }
0x25: {  	_ =	swait.ge [sflag:s30], $0x40  }
0x26: {  	[sflag:s30] =	ssyncset.done $0x0  }
0x27: {  	s0 =	simm.s32 $0x0;
	[sflag:s30] =	ssyncadd.s32 $0xFFFFFFC0  }
0x28: {  	s1 =	simm.s32 $0x40;
	v6 =	vld [tilespmem:s0+$0x0]  }
.LBB2_2:
0x29: {  	_ =	sdelay $0x1  }
0x2a: {  	p0 =	sne.s32 s1, $0x3FC0  }
.Ltmp2:
0x2b: {  	_ = 	snop;
	(pc) =	sbr.rel @p0 .LBB2_2-.Ltmp2, $4  }
0x2c: {  	vm0 =	vlt.s32 v6, $0xC800  }
0x2d: {  	v7 =	vmov v6;
	v8 =	vsel vm0, $0x0, v1  }
0x2e: {  	s2 =	sshra.s32 s1, $0x2;
	v7 =	vadd.s32 v7, v8  }
0x2f: {  	s1 =	sadd.s32 $0x40, s1;
	v6 =	vld [tilespmem:s2+$0x0];
	[tilespmem:s0+$0x1080] =	vst v7;
	s0 =	smov.u32 s2  }
0x30: {  	_ =	sdelay $0x3  }
0x31: {  	vm0 =	vlt.s32 v6, $0xC800  }
0x32: {  	v7 =	vsel vm0, $0x0, v1  }
.Ltmp3:
0x33: {  	v6 =	vadd.s32 v6, v7;
	(pc) =	sbr.rel .LBB2_4-.Ltmp3, $4  }
0x34: {  	s30 =	simm.s32 $0x1080;
	s1 =	simm.s32 $0x2200;
	[tilespmem:s0+$0x1080] =	vst v6  }
0x35: {  	[tilespmem:s1], [sflag:$0x1] =	stream.indirect.gather [hbm4b:s18+s22], $0x80, s30, s22, $0xb8;
	[tilespmem:$0x8300] =	vst v63  }
0x36: {  	s23 =	simm.s32 $0x0;
	s31 =	simm.s32 $0x2100  }
0x37: {  	[tilespmem:s31], [sflag:$0x1] =	stream.indirect.gather [hbm4b:s21+s22], $0x1, s23, s22, $0xb8;
	[tilespmem:$0x8300] =	vst v63  }
.LBB2_14:
0x38: {  	v9 =	vimm.f32 $0.0e+00  }
0x39: {  	v10 =	vimm.f32 $0.0e+00;
	v12 =	vimm.f32 $0.0e+00;
	v11 =	vimm.f32 $0.0e+00;
	s29 =	simm.s32 $0x4200;
	s0 =	simm.s32 $0x6202  }
.LBB2_19:
0x3a: {  	s1 =	spop (v2sf);
	s4 =	sadd.s32 @p0 $0x200, s29  }
0x3b: {  	s0 =	sadd.s32 @p0 $0x4, s0;
	s5 =	sand.u32 $0x7F, s26;
	s7 =	sshll.u32 s26, $0x2  }
0x3c: {  	s8 =	sadd.s32 $0x10, s26;
	s3 =	spop (v2sf);
	s9 =	sand.u32 $0x7F, s1  }
0x3d: {  	s11 =	sshll.u32 s1, $0x2;
	s13 =	sadd.s32 $0x10, s1;
	s2 =	sadd.s32 $0x20, s1  }
0x3e: {  	s7 =	sand.u32 $0xFFFFFE00, s7;
	s5 =	sshll.u32 s5, $0x2;
	s28 =	smov.u32 @p0 s0  }
0x3f: {  	s29 =	sand.u32 $0x7F, s8;
	s8 =	sshll.u32 s8, $0x2;
	s25 =	smov.u32 @p0 s4  }
0x40: {  	s1 =	sadd.s32 $0x30, s1;
	s6 =	spop (v2sf);
	s14 =	sand.u32 $0x7F, s3  }
0x41: {  	s15 =	sshll.u32 s3, $0x2;
	s16 =	sadd.s32 $0x10, s3;
	s7 =	sor.u32 s5, s7  }
0x42: {  	s5 =	sadd.s32 $0x20, s3;
	s3 =	sadd.s32 $0x30, s3;
	s11 =	sand.u32 $0xFFFFFE00, s11  }
0x43: {  	s9 =	sshll.u32 s9, $0x2;
	s30 =	sand.u32 $0x7F, s13;
	s8 =	sand.u32 $0xFFFFFE00, s8  }
0x44: {  	s13 =	sshll.u32 s13, $0x2;
	s17 =	sand.u32 $0x7F, s6;
	s12 =	sor.u32 s9, s11  }
0x45: {  	s11 =	sshll.u32 s6, $0x2;
	s0 =	sadd.s32 $0x10, s6;
	s19 =	sand.u32 $0xFFFFFE00, s15  }
0x46: {  	s14 =	sshll.u32 s14, $0x2;
	s31 =	sand.u32 $0x7F, s16;
	s13 =	sand.u32 $0xFFFFFE00, s13  }
0x47: {  	v30 =	vld @p0 [tilespmem:s10+$0x180];
	s4 =	sshll.u32 s30, $0x2;
	s10 =	sshra.s32 s7, $0x2;
	s9 =	sand.u32 $0xFFFFFE00, s11  }
0x48: {  	s20 =	sshll.u32 s17, $0x2;
	s11 =	sor.u32 s14, s19;
	s14 =	sadd.s32 $0x20, s6  }
0x49: {  	s6 =	sadd.s32 $0x30, s6;
	s17 =	sshll.u32 s16, $0x2;
	s4 =	sor.u32 s4, s13  }
0x4a: {  	s19 =	sor.u32 s20, s9;
	s9 =	sshll.u32 s29, $0x2;
	s20 =	sand.u32 $0x7F, s0  }
0x4b: {  	s0 =	sshll.u32 s0, $0x2;
	s29 =	sand.u32 $0x7F, s14;
	s4 =	sshra.s32 s4, $0x2  }
0x4c: {  	v29 =	vld.msk [tilespmem:s28+$0x1 ss:$0x0], $0xffff;
	s15 =	sor.u32 s9, s8;
	s9 =	sand.u32 $0xFFFFFE00, s17;
	s8 =	sshll.u32 s31, $0x2  }
0x4d: {  	v31 =	vld.msk [tilespmem:s28+$0x0 ss:$0x0], $0xffff;
	s0 =	sand.u32 $0xFFFFFE00, s0;
	s30 =	sshll.u32 s20, $0x2;
	s31 =	sshll.u32 s14, $0x2  }
0x4e: {  	v32 =	vld.msk [tilespmem:s28+$0xFFFFFFFF ss:$0x0], $0xffff;
	s14 =	sand.u32 $0x7F, s5;
	s5 =	sshll.u32 s5, $0x2;
	s17 =	sand.u32 $0x7F, s2  }
0x4f: {  	v33 =	vld.msk [tilespmem:s28+$0xFFFFFFFE ss:$0x0], $0xffff;
	s2 =	sshll.u32 s2, $0x2;
	s28 =	sshra.s32 s19, $0x2;
	s16 =	sor.u32 s8, s9  }
0x50: {  	s20 =	sor.u32 s30, s0;
	s9 =	sand.u32 $0x7F, s6;
	s6 =	sshll.u32 s6, $0x2  }
0x51: {  	s13 =	sand.u32 $0xFFFFFE00, s31;
	s8 =	sshll.u32 s29, $0x2;
	s29 =	sand.u32 $0xFFFFFE00, s5  }
0x52: {  	s30 =	sshll.u32 s14, $0x2;
	s31 =	sand.u32 $0x7F, s3;
	s3 =	sshll.u32 s3, $0x2  }
0x53: {  	s2 =	sand.u32 $0xFFFFFE00, s2;
	s14 =	sshra.s32 s12, $0x2;
	s6 =	sand.u32 $0xFFFFFE00, s6  }
0x54: {  	s0 =	sshll.u32 s9, $0x2;
	s9 =	sor.u32 s8, s13;
	s3 =	sand.u32 $0xFFFFFE00, s3  }
0x55: {  	s5 =	sshll.u32 s31, $0x2;
	s13 =	sand.u32 $0x7F, s1;
	s1 =	sshll.u32 s1, $0x2  }
0x56: {  	s7 =	sadd.s32 s14, s25;
	s31 =	sshra.s32 s15, $0x2;
	s14 =	sshra.s32 s20, $0x2  }
0x57: {  	s8 =	sor.u32 s0, s6;
	s0 =	sor.u32 s30, s29;
	v35 =	vld [tilespmem:s7+$0x100];
	s30 =	sadd.s32 s28, s25  }
0x58: {  	s6 =	sor.u32 s5, s3;
	s5 =	sshll.u32 s17, $0x2;
	s7 =	sadd.s32 s14, s25;
	v37 =	vld [tilespmem:s30+$0x0]  }
0x59: {  	s12 =	sshra.s32 s16, $0x2;
	s5 =	sor.u32 s5, s2;
	s2 =	sadd.s32 s10, s25;
	v47 =	vld [tilespmem:s7+$0x0]  }
0x5a: {  	v9 =	vadd.f32 @p0 v23, v9;
	v10 =	vadd.f32 @p0 v26, v10;
	v18 =	vmul.f32 @p0 v18, v13;
	s17 =	sshra.s32 s11, $0x2;
	s9 =	sshra.s32 s9, $0x2;
	s10 =	sadd.s32 s31, s25;
	v34 =	vld [tilespmem:s2+$0x180]  }
0x5b: {  	v12 =	vadd.f32 @p0 v28, v12;
	v11 =	vadd.f32 @p0 v27, v11;
	v13 =	vmul.f32 @p0 v20, v13;
	s1 =	sand.u32 $0xFFFFFE00, s1;
	s29 =	sshll.u32 s13, $0x2;
	s16 =	sadd.s32 s9, s25;
	v44 =	vld [tilespmem:s10+$0x180]  }
0x5c: {  	v9 =	vadd.f32 @p0 v19, v9;
	v10 =	vadd.f32 @p0 v25, v10;
	v19 =	vmul.f32 @p0 v21, v8;
	s11 =	sadd.s32 $0x20, s26;
	s8 =	sshra.s32 s8, $0x2;
	s2 =	sadd.s32 s17, s25;
	v48 =	vld [tilespmem:s16+$0x0]  }
0x5d: {  	v12 =	vadd.f32 @p0 v18, v12;
	v11 =	vadd.f32 @p0 v13, v11;
	v8 =	vmul.f32 @p0 v24, v8;
	s13 =	sadd.s32 $0x30, s26;
	s0 =	sshra.s32 s0, $0x2;
	s17 =	sadd.s32 s8, s25;
	v36 =	vld [tilespmem:s2+$0x80]  }
0x5e: {  	v9 =	vadd.f32 @p0 v16, v9;
	v10 =	vadd.f32 @p0 v17, v10;
	s1 =	sor.u32 s29, s1;
	s6 =	sshra.s32 s6, $0x2;
	s0 =	sadd.s32 s0, s25;
	v49 =	vld [tilespmem:s17+$0x0]  }
0x5f: {  	v12 =	vadd.f32 @p0 v19, v12;
	v8 =	vadd.f32 @p0 v8, v11;
	v11 =	vmul.f32 @p0 v22, v7;
	s15 =	sand.u32 $0x7F, s11;
	s3 =	sshll.u32 s11, $0x2;
	s26 =	sadd.s32 s6, s25;
	v52 =	vld [tilespmem:s0+$0x80]  }
0x60: {  	v7 =	vmul.f32 @p0 v30, v7;
	v9 =	vadd.f32 @p0 v14, v9;
	s19 =	sand.u32 $0x7F, s13;
	s3 =	sand.u32 $0xFFFFFE00, s3;
	s2 =	sadd.s32 s4, s25;
	v55 =	vld [tilespmem:s26+$0x80]  }
0x61: {  	v10 =	vadd.f32 @p0 v15, v10;
	v11 =	vadd.f32 @p0 v11, v12;
	s5 =	sshra.s32 s5, $0x2;
	s28 =	sshll.u32 s19, $0x2;
	s4 =	sadd.s32 s12, s25;
	v45 =	vld [tilespmem:s2+$0x100]  }
0x62: {  	v7 =	vadd.f32 @p0 v7, v8;
	v9 =	vpsel p0, v9, v6;
	s1 =	sshra.s32 s1, $0x2;
	v46 =	vld [tilespmem:s4+$0x80];
	s4 =	sshll.u32 s15, $0x2;
	s2 =	sshll.u32 s13, $0x2;
	v50 =	vmul.f32 v35, v31  }
0x63: {  	v10 =	vpsel p0, v10, v6;
	s29 =	sadd.s32 s5, s25;
	s3 =	sor.u32 s4, s3;
	s20 =	sand.u32 $0xFFFFFE00, s2;
	v53 =	vmul.f32 v37, v33;
	v8 =	vmul.f32 v47, v33  }
0x64: {  	v11 =	vpsel p0, v11, v6;
	s1 =	sadd.s32 s1, s25;
	v57 =	vld [tilespmem:s29+$0x100];
	s0 =	sor.u32 s28, s20;
	s30 =	sshra.s32 s3, $0x2;
	v51 =	vmul.f32 v34, v29;
	v23 =	vmul.f32 v44, v29  }
0x65: {  	v6 =	vpsel p0, v7, v6;
	v58 =	vld [tilespmem:s1+$0x100];
	s31 =	sadd.s32 s30, s25;
	s0 =	sshra.s32 s0, $0x2;
	v13 =	vmul.f32 v48, v33;
	v54 =	vmul.f32 v36, v32  }
0x66: {  	v16 =	vmul.f32 v49, v33;
	v59 =	vld [tilespmem:s31+$0x180];
	s0 =	sadd.s32 s0, s25;
	v8 =	vadd.f32 v8, v10;
	v10 =	vmul.f32 v52, v32  }
0x67: {  	v9 =	vadd.f32 v53, v9;
	v60 =	vmul.f32 v55, v32;
	v18 =	vmul.f32 v46, v32;
	v7 =	vld [tilespmem:s0+$0x180]  }
0x68: {  	v56 =	vmul.f32 v45, v31;
	v11 =	vadd.f32 v13, v11;
	v6 =	vadd.f32 v16, v6  }
0x69: {  	v61 =	vmul.f32 v57, v31;
	v9 =	vadd.f32 v54, v9;
	v8 =	vadd.f32 v18, v8  }
0x6a: {  	v10 =	vadd.f32 v10, v11;
	v11 =	vmul.f32 v58, v31;
	v6 =	vadd.f32 v60, v6  }
0x6b: {  	v9 =	vadd.f32 v50, v9;
	v8 =	vadd.f32 v56, v8;
	v62 =	vmul.f32 v59, v29  }
0x6c: {  	v10 =	vadd.f32 v61, v10;
	v11 =	vadd.f32 v11, v6;
	v63 =	vmul.f32 v7, v29  }
0x6d: {  	v6 =	vadd.f32 v51, v9;
	v7 =	vadd.f32 v23, v8  }
0x6e: {  	v8 =	vadd.f32 v62, v10;
	v9 =	vadd.f32 v63, v11  }
.LBB2_20:
0x6f: {  	s23 =	sadd.s32 $0x1, s23  }
0x70: {  	s0 =	sshll.u32 s24, $0x7;
	p0 =	seq.s32 s23, $0x20  }
.Ltmp4:
0x71: {  	s0 =	sand.u32 $0x3FFFFF80, s0;
	(pc) =	sbr.rel @p0 .LBB2_21-.Ltmp4, $4  }
0x72: {  	[tilespmem:s0+$0x6300] =	vst v6  }
0x73: {  	[tilespmem:s0+$0x6310] =	vst v7  }
0x74: {  	[tilespmem:s0+$0x6320] =	vst v8  }
0x75: {  	[tilespmem:s0+$0x6330] =	vst v9  }
.LBB2_4:
0x76: {  	s24 =	sshllo.u32 s23, $0x1  }
0x77: {  	s25 =	sshll.u32 s24, $0x6  }
0x78: {  	s1 =	simm.s32 $0x4200;
	s0 =	sadd.s32 $0x1080, s25  }
0x79: {  	[tilespmem:s1], [sflag:$0x2] =	stream.indirect.gather [hbm4b:s18+s22], $0x80, s0, s22, $0xb8;
	[tilespmem:$0x8300] =	vst v63  }
0x7a: {  	s28 =	simm.s32 $0x2180;
	s29 =	simm.s32 $0x1  }
0x7b: {  	[tilespmem:s28], [sflag:$0x2] =	stream.indirect.gather [hbm4b:s21+s22], $0x1, s25, s22, $0xb8;
	[tilespmem:$0x8300] =	vst v63  }
0x7c: {  	_ =	swait.ge [sflag:s29], $0x2000  }
0x7d: {  	[sflag:s29] =	ssyncset.done $0x0  }
0x7e: {  	[sflag:s29] =	ssyncadd.s32 $0xFFFFE000  }
0x7f: {  	_ =	swait.ge [sflag:s29], $0x40  }
0x80: {  	[sflag:s29] =	ssyncset.done $0x0  }
0x81: {  	s26 =	sshll.u32 s23, $0x1;
	[sflag:s29] =	ssyncadd.s32 $0xFFFFFFC0  }
0x82: {  	v6 =	vld [tilespmem:s26+$0x2080]  }
0x83: {  	v7 =	vld [tilespmem:$0x2100]  }
0x84: {  	v8 =	vld [tilespmem:$0x2110]  }
0x85: {  	v9 =	vld [tilespmem:$0x2120]  }
0x86: {  	v11 =	vld [tilespmem:$0x2130]  }
0x87: {  	v10 =	vbroadcast v6, $0x0;
	_ =	sdelay $0x1  }
0x88: {  	vm0 =	vgt.s32 v10, v0;
	vm1 =	vgt.s32 v10, v2  }
0x89: {  	vm2 =	vgt.s32 v10, v3;
	vm3 =	vgt.s32 v10, v4;
	v7 =	vnsel vm0, $0xF149F2CA, v7  }
0x8a: {  	v8 =	vnsel vm1, $0xF149F2CA, v8;
	v9 =	vnsel vm2, $0xF149F2CA, v9;
	v10 =	vnsel vm3, $0xF149F2CA, v11  }
0x8b: {  	v11 =	vmax.f32 v7, v8;
	v12 =	vmax.f32 v9, v10  }
0x8c: {  	v11 =	vmax.f32 v11, v12  }
0x8d: {  	(xrf0) =	vmax.scan.msk.f32 $0xffff, v11;
	_ =	sdelay $0x5  }
0x8e: {  	v11, _, _ =	vpop (xrf0)  }
0x8f: {  	v11 =	vbroadcast v11, $0xF;
	_ =	sdelay $0x1  }
0x90: {  	v7 =	vsub.f32 v7, v11  }
0x91: {  	v8 =	vsub.f32 v8, v11  }
0x92: {  	v7 =	vmul.f32 $1.442695020e+00, v7  }
0x93: {  	v9 =	vsub.f32 v9, v11;
	v8 =	vmul.f32 $1.442695020e+00, v8  }
0x94: {  	(erf) = vpow2.f32 v7  }
0x95: {  	v7 =	vmul.f32 $1.442695020e+00, v9;
	(erf) = vpow2.f32 v8;
	v8 =	vsub.f32 v10, v11;
	_ =	sdelay $0x1  }
0x96: {  	(erf) = vpow2.f32 v7;
	v7 =	vmul.f32 $1.442695020e+00, v8;
	_ =	sdelay $0x1  }
0x97: {  	(erf) = vpow2.f32 v7;
	_ =	sdelay $0x3  }
0x98: {  	v7 =	vpop (erf)  }
0x99: {  	v8 =	vpop (erf)  }
0x9a: {  	v7 =	vnsel vm0, $0x0, v7;
	v8 =	vnsel vm1, $0x0, v8  }
0x9b: {  	v9 =	vpop (erf);
	v10 =	vadd.f32 v8, v7  }
0x9c: {  	v9 =	vnsel vm2, $0x0, v9  }
0x9d: {  	v11 =	vpop (erf);
	v10 =	vadd.f32 v10, v9  }
0x9e: {  	v11 =	vnsel vm3, $0x0, v11  }
0x9f: {  	v10 =	vadd.f32 v10, v11;
	_ =	sdelay $0x1  }
0xa0: {  	(xrf2) =	vadd.scan.msk.f32 $0xffff, v10;
	_ =	sdelay $0x9  }
0xa1: {  	v10, _, _ =	vpop (xrf2)  }
0xa2: {  	v10 =	vmax.f32 v10, $9.999999680e-21  }
0xa3: {  	v10 =	vbroadcast v10, $0xF;
	_ =	sdelay $0x1  }
0xa4: {  	(erf) = vrcp.f32 v10;
	_ =	sdelay $0x8  }
0xa5: {  	v10 =	vpop (erf)  }
0xa6: {  	v7 =	vmul.f32 v10, v7  }
0xa7: {  	s30 =	sshll.u32 s23, $0x7  }
0xa8: {  	s0 =	sand.u32 $0x3FFFFF80, s30;
	[tilespmem:$0x6200] =	vst v7  }
0xa9: {  	v7 =	vld [tilespmem:s0+$0x0];
	_ =	sdelay $0x3  }
0xaa: {  	v8 =	vmul.f32 v10, v8  }
0xab: {  	vm12 =	vgt.s32 v7, $0xC7FF  }
0xac: {  	[tilespmem:$0x6210] =	vst v8;
	v7 =	vsel vm12, $0x40, v5  }
0xad: {  	[tilespmem:$0x6280] =	vst v7  }
0xae: {  	v7 =	vld [tilespmem:s0+$0x10]  }
0xaf: {  	(v2sf) =	vpush v6, $0x0;
	_ =	sdelay $0x2  }
0xb0: {  	v8 =	vmul.f32 v10, v9  }
0xb1: {  	vm13 =	vgt.s32 v7, $0xC7FF  }
0xb2: {  	[tilespmem:$0x6220] =	vst v8;
	v7 =	vsel vm13, $0x40, v5  }
0xb3: {  	[tilespmem:$0x6290] =	vst v7  }
0xb4: {  	v6 =	vld [tilespmem:s0+$0x20];
	_ =	sdelay $0x3  }
0xb5: {  	v7 =	vmul.f32 v10, v11  }
0xb6: {  	vm14 =	vgt.s32 v6, $0xC7FF  }
0xb7: {  	[tilespmem:$0x6230] =	vst v7;
	v6 =	vsel vm14, $0x40, v5  }
0xb8: {  	[tilespmem:$0x62A0] =	vst v6  }
0xb9: {  	s31 =	spop (v2sf);
	v6 =	vld [tilespmem:s0+$0x30]  }
0xba: {  	s0 =	sadd.s32 $0x3, s31  }
0xbb: {  	p0 =	slt.s32 s0, $0x4  }
.Ltmp5:
0xbc: {  	_ = 	snop;
	(pc) =	sbr.rel @p0 .LBB2_12-.Ltmp5, $4  }
0xbd: {  	_ = 	snop  }
0xbe: {  	vm15 =	vgt.s32 v6, $0xC7FF  }
0xbf: {  	[dreg:$0x1f] =	wrdreg s23;
	v9 =	vimm.f32 $0.0e+00;
	v10 =	vimm.f32 $0.0e+00;
	v8 =	vsel vm15, $0x40, v5  }
0xc0: {  	[smem:$0x7FD] =	sst s24;
	v7 =	vimm.f32 $0.0e+00;
	v6 =	vimm.f32 $0.0e+00;
	[tilespmem:$0x62B0] =	vst v8;
	v8 =	vimm.f32 $0.0e+00  }
0xc1: {  	s0 =	sand.u32 $0xFFFFFFFC, s0  }
0xc2: {  	s30 =	simm.s32 $0x6282;
	[dreg:$0x4] =	wrdreg s0  }
0xc3: {  	v8 =	vld [tilespmem:s30+$0x1];
	_ =	sdelay $0x4  }
0xc4: {  	(v2sf) =	vpush v8, $0x0;
	_ =	sdelay $0x7  }
0xc5: {  	v8 =	vld [tilespmem:s30+$0x0]  }
0xc6: {  	v9 =	vld [tilespmem:s30+$0xFFFFFFFF];
	s31 =	rddreg [dreg:$0x4]  }
0xc7: {  	v10 =	vld [tilespmem:s30+$0xFFFFFFFE];
	p1 =	sgt.s32 s31, $0x4  }
.Ltmp6:
0xc8: {  	_ = 	snop;
	(pc) =	sbr.rel @!p1 .LBB2_6-.Ltmp6, $4  }
0xc9: {  	_ = 	snop  }
0xca: {  	(v2sf) =	vpush v8, $0x0  }
0xcb: {  	s28 =	simm.s32 $0x2200;
	(v2sf) =	vpush v9, $0x0  }
0xcc: {  	v7 =	vimm.f32 $0.0e+00;
	s3 =	simm.s32 $0x6202;
	p0 =	por $0x0, $0x0;
	(v2sf) =	vpush v10, $0x0;
	s29 =	spop (v2sf)  }
0xcd: {  	_ =	sdelay $0x6  }
0xce: {  	[smem:$0x7FB] =	sst s26  }
0xcf: {  	[smem:$0x7FC] =	sst s25;
	s2 =	sand.u32 $0x7F, s29;
	s4 =	simm.s32 $0x6286  }
0xd0: {  	s6 =	sshll.u32 s29, $0x2;
	s7 =	sadd.s32 $0x10, s29;
	s11 =	sadd.s32 $0x30, s29;
	v8 =	vld [tilespmem:s4+$0x1]  }
0xd1: {  	p0 =	por $0x1, $0x1;
	s6 =	sand.u32 $0xFFFFFE00, s6;
	s2 =	sshll.u32 s2, $0x2;
	v20 =	vld [tilespmem:s4+$0x0]  }
0xd2: {  	s17 =	sand.u32 $0x7F, s7;
	s7 =	sshll.u32 s7, $0x2;
	v22 =	vld [tilespmem:s4+$0xFFFFFFFF];
	s2 =	sor.u32 s2, s6  }
0xd3: {  	v26 =	vld [tilespmem:s4+$0xFFFFFFFE];
	s4 =	simm.s32 $0x8;
	s2 =	sshra.s32 s2, $0x2;
	s0 =	spop (v2sf)  }
0xd4: {  	s7 =	sand.u32 $0xFFFFFE00, s7;
	s2 =	sadd.s32 $0x2200, s2;
	s1 =	spop (v2sf)  }
0xd5: {  	s8 =	sand.u32 $0x7F, s0;
	s9 =	sshll.u32 s0, $0x2;
	s10 =	sadd.s32 $0x10, s0  }
0xd6: {  	s14 =	sadd.s32 $0x20, s0;
	s0 =	sadd.s32 $0x30, s0;
	s5 =	spop (v2sf)  }
0xd7: {  	s12 =	sand.u32 $0x7F, s1;
	s19 =	sshll.u32 s1, $0x2;
	s20 =	sadd.s32 $0x10, s1  }
0xd8: {  	s9 =	sand.u32 $0xFFFFFE00, s9;
	s8 =	sshll.u32 s8, $0x2;
	s30 =	sand.u32 $0x7F, s5  }
0xd9: {  	s31 =	sshll.u32 s5, $0x2;
	s15 =	sadd.s32 $0x10, s5;
	s19 =	sand.u32 $0xFFFFFE00, s19  }
0xda: {  	s12 =	sshll.u32 s12, $0x2;
	s8 =	sor.u32 s8, s9;
	s16 =	sadd.s32 $0x20, s5  }
0xdb: {  	s5 =	sadd.s32 $0x30, s5;
	s18 =	sand.u32 $0x7F, s20;
	s20 =	sshll.u32 s20, $0x2  }
0xdc: {  	s12 =	sor.u32 s12, s19;
	s31 =	sand.u32 $0xFFFFFE00, s31;
	s30 =	sshll.u32 s30, $0x2  }
0xdd: {  	s19 =	sshll.u32 s17, $0x2;
	s20 =	sand.u32 $0xFFFFFE00, s20;
	s6 =	sshll.u32 s15, $0x2  }
0xde: {  	s21 =	sand.u32 $0x7F, s16;
	s9 =	sshll.u32 s16, $0x2;
	s22 =	sshll.u32 s5, $0x2  }
0xdf: {  	s5 =	sand.u32 $0x7F, s5;
	s8 =	sshra.s32 s8, $0x2;
	s16 =	sand.u32 $0x7F, s14  }
0xe0: {  	s30 =	sor.u32 s30, s31;
	s31 =	sand.u32 $0x7F, s10;
	s10 =	sshll.u32 s10, $0x2  }
0xe1: {  	s7 =	sor.u32 s19, s7;
	s19 =	sshll.u32 s18, $0x2;
	s6 =	sand.u32 $0xFFFFFE00, s6  }
0xe2: {  	s9 =	sand.u32 $0xFFFFFE00, s9;
	s5 =	sshll.u32 s5, $0x2;
	s8 =	sadd.s32 $0x2200, s8  }
0xe3: {  	s12 =	sshra.s32 s12, $0x2;
	s18 =	sand.u32 $0x7F, s0;
	s0 =	sshll.u32 s0, $0x2  }
0xe4: {  	s10 =	sand.u32 $0xFFFFFE00, s10;
	s31 =	sshll.u32 s31, $0x2;
	s19 =	sor.u32 s19, s20  }
0xe5: {  	s20 =	sshll.u32 s21, $0x2;
	s26 =	sshra.s32 s30, $0x2;
	s12 =	sadd.s32 $0x2200, s12  }
0xe6: {  	s7 =	sshra.s32 s7, $0x2;
	s30 =	sadd.s32 $0x20, s29;
	s0 =	sand.u32 $0xFFFFFE00, s0  }
0xe7: {  	s10 =	sor.u32 s31, s10;
	s31 =	sand.u32 $0x7F, s15;
	s9 =	sor.u32 s20, s9  }
0xe8: {  	s20 =	sand.u32 $0xFFFFFE00, s22;
	s28 =	sadd.s32 $0x2200, s26;
	s7 =	sadd.s32 $0x2200, s7  }
0xe9: {  	v9 =	vld.msk [tilespmem:s3+$0x0 ss:$0x0], $0xffff;
	s13 =	sshra.s32 s19, $0x2;
	s17 =	sand.u32 $0x7F, s30;
	s19 =	sand.u32 $0x7F, s11  }
0xea: {  	v14 =	vld.msk [tilespmem:s3+$0xFFFFFFFF ss:$0x0], $0xffff;
	s22 =	simm.s32 $0x6286;
	s31 =	sshll.u32 s31, $0x2;
	s23 =	sor.u32 s5, s20  }
0xeb: {  	v12 =	vld [tilespmem:s12+$0x80];
	s10 =	sshra.s32 s10, $0x2;
	s12 =	sadd.s32 $0x2200, s13;
	s9 =	sshra.s32 s9, $0x2  }
0xec: {  	(v2sf) =	vpush v8, $0x0;
	v16 =	vld [tilespmem:s7+$0x180];
	s7 =	sshll.u32 s11, $0x2;
	s6 =	sor.u32 s31, s6;
	s31 =	sadd.s32 $0x20, s1  }
0xed: {  	v30 =	vld.msk [tilespmem:s3+$0xFFFFFFFE ss:$0x0], $0xffff;
	s10 =	sadd.s32 $0x2200, s10;
	s1 =	sadd.s32 $0x30, s1;
	s9 =	sadd.s32 $0x2200, s9  }
0xee: {  	v10 =	vld [tilespmem:s2+$0x180];
	s2 =	sshra.s32 s23, $0x2;
	s7 =	sand.u32 $0xFFFFFE00, s7;
	s23 =	rddreg [dreg:$0x4]  }
0xef: {  	v8 =	vld.msk [tilespmem:s3+$0x1 ss:$0x0], $0xffff;
	s24 =	sshll.u32 s31, $0x2;
	s25 =	sand.u32 $0x7F, s31;
	s6 =	sshra.s32 s6, $0x2  }
0xf0: {  	v18 =	vld [tilespmem:s10+$0x100];
	s15 =	sand.u32 $0x7F, s1;
	s1 =	sshll.u32 s1, $0x2;
	s10 =	sshll.u32 s14, $0x2  }
0xf1: {  	v28 =	vld [tilespmem:s9+$0x0];
	s9 =	sshll.u32 s16, $0x2;
	s2 =	sadd.s32 $0x2200, s2;
	p1 =	sgt.s32 s23, $0x8  }
0xf2: {  	v11 =	vld [tilespmem:s8+$0x100];
	s5 =	sand.u32 $0xFFFFFE00, s24;
	s8 =	sshll.u32 s25, $0x2;
	s6 =	sadd.s32 $0x2200, s6  }
0xf3: {  	v13 =	vld [tilespmem:s28+$0x0];
	s1 =	sand.u32 $0xFFFFFE00, s1;
	s10 =	sand.u32 $0xFFFFFE00, s10;
	s5 =	sor.u32 s8, s5  }
0xf4: {  	v25 =	vld [tilespmem:s6+$0x0];
	s6 =	sshll.u32 s15, $0x2;
	s9 =	sor.u32 s9, s10;
	s10 =	sshll.u32 s18, $0x2  }
0xf5: {  	v23 =	vld [tilespmem:s12+$0x80];
	s8 =	sshll.u32 s30, $0x2;
	s1 =	sor.u32 s6, s1;
	s0 =	sor.u32 s10, s0  }
0xf6: {  	s8 =	sand.u32 $0xFFFFFE00, s8;
	s6 =	sshll.u32 s17, $0x2;
	s5 =	sshra.s32 s5, $0x2  }
0xf7: {  	v15 =	vmul.f32 v10, v8;
	(v2sf) =	vpush v20, $0x0;
	v31 =	vld [tilespmem:s2+$0x0];
	s10 =	sshll.u32 s19, $0x2;
	s24 =	sshra.s32 s9, $0x2;
	s5 =	sadd.s32 $0x2200, s5  }
.Ltmp7:
0xf8: {  	v10 =	vimm.f32 $0.0e+00;
	(v2sf) =	vpush v22, $0x0;
	v17 =	vmul.f32 v11, v9;
	s1 =	sshra.s32 s1, $0x2;
	s25 =	sadd.s32 $0x2200, s24;
	v19 =	vld [tilespmem:s5+$0x80];
	(pc) =	sbr.rel @!p1 .LBB2_8-.Ltmp7, $4  }
0xf9: {  	(v2sf) =	vpush v26, $0x0;
	v20 =	vmul.f32 v12, v14;
	v24 =	vmul.f32 v13, v30;
	s20 =	sor.u32 s6, s8;
	s0 =	sshra.s32 s0, $0x2;
	s1 =	sadd.s32 $0x2200, s1;
	v22 =	vld [tilespmem:s25+$0x100]  }
0xfa: {  	v11 =	vimm.f32 $0.0e+00;
	v16 =	vmul.f32 v16, v8;
	s21 =	sor.u32 s10, s7;
	v26 =	vmul.f32 v23, v14;
	s0 =	sadd.s32 $0x2200, s0;
	s26 =	sshra.s32 s20, $0x2;
	v21 =	vld [tilespmem:s1+$0x80]  }
0xfb: {  	s29 =	spop (v2sf);
	v12 =	vimm.f32 $0.0e+00;
	v18 =	vmul.f32 v18, v9;
	s28 =	sshra.s32 s21, $0x2;
	s30 =	sadd.s32 $0x2200, s26;
	v27 =	vmul.f32 v25, v30;
	v25 =	vld [tilespmem:s0+$0x100]  }
0xfc: {  	s31 =	simm.s32 $0x2200;
	v13 =	vimm.f32 $0.0e+00;
	v29 =	vmul.f32 v28, v30;
	v28 =	vmul.f32 v31, v30;
	s10 =	sadd.s32 $0x2200, s28;
	v23 =	vld [tilespmem:s30+$0x180];
	s0 =	simm.s32 $0x6202  }
.LBB2_9:
0xfd: {  	s4 =	sadd.s32 $0x4, s4  }
0xfe: {  	s1 =	rddreg [dreg:$0x4];
	s31 =	sadd.s32 $0x200, s31;
	s0 =	sadd.s32 $0x4, s0  }
0xff: {  	s6 =	sand.u32 $0x7F, s29;
	s30 =	sadd.s32 $0x4, s22;
	s8 =	sshll.u32 s29, $0x2  }
0x100: {  	s9 =	sadd.s32 $0x10, s29;
	s20 =	sadd.s32 $0x30, s29;
	[dreg:$0x6] =	wrdreg s4  }
0x101: {  	[dreg:$0x8] =	wrdreg s1;
	s4 =	sadd.s32 $0x20, s29;
	s8 =	sand.u32 $0xFFFFFE00, s8  }
0x102: {  	s6 =	sshll.u32 s6, $0x2;
	s22 =	sand.u32 $0x7F, s9;
	s9 =	sshll.u32 s9, $0x2  }
0x103: {  	s28 =	sand.u32 $0x7F, s20;
	s20 =	sshll.u32 s20, $0x2;
	s24 =	sand.u32 $0x7F, s4  }
0x104: {  	v10 =	vadd.f32 v24, v10;
	v24 =	vld [tilespmem:s10+$0x180];
	s10 =	sshll.u32 s4, $0x2;
	[dreg:$0x11] =	wrdreg s28;
	s6 =	sor.u32 s6, s8  }
0x105: {  	s8 =	sand.u32 $0xFFFFFE00, s9;
	s9 =	sshll.u32 s22, $0x2;
	s20 =	sand.u32 $0xFFFFFE00, s20  }
0x106: {  	s10 =	sand.u32 $0xFFFFFE00, s10;
	s24 =	sshll.u32 s24, $0x2;
	[dreg:$0xa] =	wrdreg s20  }
0x107: {  	s20 =	rddreg [dreg:$0x11];
	s6 =	sshra.s32 s6, $0x2;
	s8 =	sor.u32 s9, s8  }
0x108: {  	s6 =	sadd.s32 s6, s31;
	s8 =	sshra.s32 s8, $0x2;
	s2 =	spop (v2sf)  }
0x109: {  	s8 =	sadd.s32 s8, s31;
	s5 =	spop (v2sf);
	s12 =	sand.u32 $0x7F, s2  }
0x10a: {  	s19 =	sshll.u32 s2, $0x2;
	s29 =	sadd.s32 $0x10, s2;
	s15 =	sadd.s32 $0x20, s2  }
0x10b: {  	s2 =	sadd.s32 $0x30, s2;
	s7 =	spop (v2sf);
	s16 =	sand.u32 $0x7F, s5  }
0x10c: {  	s13 =	sshll.u32 s5, $0x2;
	s14 =	sadd.s32 $0x10, s5;
	s21 =	sadd.s32 $0x20, s5  }
0x10d: {  	s5 =	sadd.s32 $0x30, s5;
	s23 =	sand.u32 $0xFFFFFE00, s19;
	s12 =	sshll.u32 s12, $0x2  }
0x10e: {  	s26 =	sand.u32 $0x7F, s29;
	s25 =	sshll.u32 s29, $0x2;
	s1 =	sand.u32 $0x7F, s15  }
0x10f: {  	s15 =	sshll.u32 s15, $0x2;
	s29 =	sand.u32 $0x7F, s2;
	s2 =	sshll.u32 s2, $0x2  }
0x110: {  	s3 =	sand.u32 $0x7F, s7;
	s11 =	sshll.u32 s7, $0x2;
	s18 =	sadd.s32 $0x10, s7  }
0x111: {  	s17 =	sadd.s32 $0x20, s7;
	s7 =	sadd.s32 $0x30, s7;
	s13 =	sand.u32 $0xFFFFFE00, s13  }
0x112: {  	s16 =	sshll.u32 s16, $0x2;
	s19 =	sand.u32 $0x7F, s14;
	s14 =	sshll.u32 s14, $0x2  }
0x113: {  	s28 =	sand.u32 $0x7F, s21;
	s4 =	sshll.u32 s21, $0x2;
	s21 =	sand.u32 $0x7F, s5  }
0x114: {  	s5 =	sshll.u32 s5, $0x2;
	s12 =	sor.u32 s12, s23;
	s23 =	sand.u32 $0xFFFFFE00, s25  }
0x115: {  	s25 =	sshll.u32 s20, $0x2;
	s20 =	sshll.u32 s26, $0x2;
	s15 =	sand.u32 $0xFFFFFE00, s15  }
0x116: {  	s26 =	sshll.u32 s1, $0x2;
	s1 =	sand.u32 $0xFFFFFE00, s2;
	[dreg:$0x15] =	wrdreg s21  }
0x117: {  	v11 =	vadd.f32 v27, v11;
	s11 =	sand.u32 $0xFFFFFE00, s11;
	s3 =	sshll.u32 s3, $0x2;
	s21 =	sand.u32 $0x7F, s17  }
0x118: {  	v10 =	vadd.f32 v20, v10;
	s17 =	sshll.u32 s17, $0x2;
	s16 =	sor.u32 s16, s13;
	s13 =	sshll.u32 s29, $0x2  }
0x119: {  	v12 =	vadd.f32 v28, v12;
	v11 =	vadd.f32 v26, v11;
	s14 =	sand.u32 $0xFFFFFE00, s14;
	s19 =	sshll.u32 s19, $0x2;
	s4 =	sand.u32 $0xFFFFFE00, s4  }
0x11a: {  	v19 =	vmul.f32 v19, v14;
	v14 =	vmul.f32 v21, v14;
	v10 =	vadd.f32 v17, v10;
	v17 =	vld [tilespmem:s30+$0xFFFFFFFF];
	s28 =	sshll.u32 s28, $0x2;
	s2 =	sand.u32 $0xFFFFFE00, s5;
	[dreg:$0x10] =	wrdreg s11  }
0x11b: {  	v13 =	vadd.f32 v29, v13;
	v20 =	vmul.f32 v22, v9;
	v11 =	vadd.f32 v18, v11;
	v18 =	vld [tilespmem:s30+$0xFFFFFFFE];
	s12 =	sshra.s32 s12, $0x2;
	s23 =	sor.u32 s20, s23;
	[dreg:$0x14] =	wrdreg s3  }
0x11c: {  	v9 =	vmul.f32 v25, v9;
	v12 =	vadd.f32 v14, v12;
	v10 =	vadd.f32 v15, v10;
	v15 =	vld [tilespmem:s30+$0x1];
	s3 =	sand.u32 $0x7F, s18;
	s18 =	sshll.u32 s18, $0x2;
	s11 =	sand.u32 $0x7F, s7  }
0x11d: {  	v14 =	vmul.f32 v23, v8;
	v23 =	vld.msk [tilespmem:s0+$0xFFFFFFFE ss:$0x0], $0xffff;
	s7 =	sshll.u32 s7, $0x2;
	s22 =	rddreg [dreg:$0x15];
	s17 =	sand.u32 $0xFFFFFE00, s17  }
0x11e: {  	v13 =	vadd.f32 v19, v13;
	v8 =	vmul.f32 v24, v8;
	v25 =	vld [tilespmem:s8+$0x180];
	v9 =	vadd.f32 v9, v12;
	s21 =	sshll.u32 s21, $0x2;
	s16 =	sshra.s32 s16, $0x2;
	s12 =	sadd.s32 s12, s31  }
0x11f: {  	v11 =	vadd.f32 v16, v11;
	v16 =	vld [tilespmem:s30+$0x0];
	s9 =	sshra.s32 s23, $0x2;
	s4 =	sor.u32 s28, s4;
	[dreg:$0xe] =	wrdreg s11  }
0x120: {  	v13 =	vadd.f32 v20, v13;
	v12 =	vadd.f32 v8, v9;
	v8 =	vld.msk [tilespmem:s0+$0x1 ss:$0x0], $0xffff;
	s5 =	sshll.u32 s22, $0x2;
	s22 =	smov.u32 s30;
	s30 =	rddreg [dreg:$0x10]  }
0x121: {  	v9 =	vld.msk [tilespmem:s0+$0x0 ss:$0x0], $0xffff;
	s1 =	sor.u32 s13, s1;
	s29 =	rddreg [dreg:$0x14];
	s18 =	sand.u32 $0xFFFFFE00, s18;
	(v2sf) =	vpush v15, $0x0  }
0x122: {  	v13 =	vadd.f32 v14, v13;
	v14 =	vld.msk [tilespmem:s0+$0xFFFFFFFF ss:$0x0], $0xffff;
	s3 =	sshll.u32 s3, $0x2;
	s7 =	sand.u32 $0xFFFFFE00, s7;
	s16 =	sadd.s32 s16, s31  }
0x123: {  	v15 =	vld [tilespmem:s6+$0x180];
	s9 =	sadd.s32 s9, s31;
	s4 =	sshra.s32 s4, $0x2;
	s11 =	sor.u32 s29, s30  }
0x124: {  	(v2sf) =	vpush v16, $0x0;
	s29 =	rddreg [dreg:$0xe];
	v16 =	vld [tilespmem:s12+$0x100];
	s30 =	sor.u32 s19, s14;
	s3 =	sor.u32 s3, s18  }
0x125: {  	v22 =	vld [tilespmem:s9+$0x100];
	s2 =	sor.u32 s5, s2;
	s18 =	sor.u32 s26, s15;
	(v2sf) =	vpush v17, $0x0;
	s11 =	sshra.s32 s11, $0x2  }
0x126: {  	s29 =	sshll.u32 s29, $0x2;
	s3 =	sshra.s32 s3, $0x2;
	(v2sf) =	vpush v18, $0x0;
	s6 =	sadd.s32 s11, s31;
	v18 =	vld [tilespmem:s16+$0x80]  }
0x127: {  	s11 =	sor.u32 s21, s17;
	s3 =	sadd.s32 s3, s31;
	v20 =	vld [tilespmem:s6+$0x0];
	s6 =	sshra.s32 s30, $0x2  }
0x128: {  	s7 =	sor.u32 s29, s7;
	s8 =	sshra.s32 s11, $0x2;
	v27 =	vld [tilespmem:s3+$0x0];
	s6 =	sadd.s32 s6, s31  }
0x129: {  	s26 =	rddreg [dreg:$0x8];
	s14 =	sshra.s32 s7, $0x2;
	s12 =	sadd.s32 s8, s31;
	v26 =	vld [tilespmem:s6+$0x80]  }
0x12a: {  	s17 =	sadd.s32 s4, s31;
	s4 =	rddreg [dreg:$0x6];
	s16 =	sadd.s32 s14, s31;
	v28 =	vld [tilespmem:s12+$0x0]  }
0x12b: {  	s1 =	sshra.s32 s1, $0x2;
	s2 =	sshra.s32 s2, $0x2;
	p1 =	slt.s32 s4, s26;
	v30 =	vld [tilespmem:s16+$0x0]  }
.Ltmp8:
0x12c: {  	s1 =	sadd.s32 s1, s31;
	s2 =	sadd.s32 s2, s31;
	v19 =	vld [tilespmem:s17+$0x80];
	v15 =	vmul.f32 v15, v8;
	v17 =	vmul.f32 v16, v9;
	(pc) =	sbr.rel @p1 .LBB2_9-.Ltmp8, $4  }
0x12d: {  	s19 =	sshra.s32 s18, $0x2;
	s21 =	sor.u32 s24, s10;
	s24 =	rddreg [dreg:$0xa];
	v21 =	vld [tilespmem:s2+$0x80];
	v16 =	vmul.f32 v25, v8;
	v24 =	vmul.f32 v20, v23  }
0x12e: {  	s20 =	sadd.s32 s19, s31;
	s23 =	sshra.s32 s21, $0x2;
	s3 =	sor.u32 s25, s24;
	v25 =	vld [tilespmem:s1+$0x100];
	v20 =	vmul.f32 v18, v14;
	v18 =	vmul.f32 v22, v9  }
0x12f: {  	s28 =	sadd.s32 s23, s31;
	s30 =	sshra.s32 s3, $0x2;
	v22 =	vld [tilespmem:s20+$0x100];
	v27 =	vmul.f32 v27, v23;
	v26 =	vmul.f32 v26, v14  }
0x130: {  	s10 =	sadd.s32 s30, s31;
	v29 =	vmul.f32 v28, v23;
	v28 =	vmul.f32 v30, v23;
	v23 =	vld [tilespmem:s28+$0x180];
	s29 =	spop (v2sf)  }
0x131: {  	s18 =	rddreg [dreg:$0x18]  }
0x132: {  	s21 =	rddreg [dreg:$0x19]  }
0x133: {  	s23 =	rddreg [dreg:$0x1f]  }
0x134: {  	s24 =	sld [smem:$0x7FD]  }
0x135: {  	s25 =	sld [smem:$0x7FC]  }
0x136: {  	s22 =	simm.s32 $0x40;
	s26 =	sld [smem:$0x7FB];
	s28 =	simm.s32 $0x2200  }
.LBB2_11:
0x137: {  	s1 =	spop (v2sf);
	s4 =	sadd.s32 @p0 $0x200, s31;
	s0 =	sadd.s32 @p0 $0x4, s0  }
0x138: {  	s5 =	sand.u32 $0x7F, s29;
	s7 =	sshll.u32 s29, $0x2;
	s8 =	sadd.s32 $0x10, s29  }
0x139: {  	s30 =	simm.s32 $0x6202;
	s3 =	spop (v2sf);
	s9 =	sand.u32 $0x7F, s1  }
0x13a: {  	s11 =	sshll.u32 s1, $0x2;
	s13 =	sadd.s32 $0x10, s1;
	s2 =	sadd.s32 $0x20, s1  }
0x13b: {  	s7 =	sand.u32 $0xFFFFFE00, s7;
	s5 =	sshll.u32 s5, $0x2;
	s30 =	smov.u32 @p0 s0  }
0x13c: {  	s20 =	sand.u32 $0x7F, s8;
	s8 =	sshll.u32 s8, $0x2;
	s28 =	smov.u32 @p0 s4  }
0x13d: {  	s1 =	sadd.s32 $0x30, s1;
	s6 =	spop (v2sf);
	s14 =	sand.u32 $0x7F, s3  }
0x13e: {  	s15 =	sshll.u32 s3, $0x2;
	s16 =	sadd.s32 $0x10, s3;
	s7 =	sor.u32 s5, s7  }
0x13f: {  	s5 =	sadd.s32 $0x20, s3;
	s3 =	sadd.s32 $0x30, s3;
	s11 =	sand.u32 $0xFFFFFE00, s11  }
0x140: {  	s9 =	sshll.u32 s9, $0x2;
	s31 =	sand.u32 $0x7F, s13;
	s8 =	sand.u32 $0xFFFFFE00, s8  }
0x141: {  	s13 =	sshll.u32 s13, $0x2;
	s17 =	sand.u32 $0x7F, s6;
	s12 =	sor.u32 s9, s11  }
0x142: {  	s11 =	sshll.u32 s6, $0x2;
	s0 =	sadd.s32 $0x10, s6;
	s15 =	sand.u32 $0xFFFFFE00, s15  }
0x143: {  	s14 =	sshll.u32 s14, $0x2;
	s13 =	sand.u32 $0xFFFFFE00, s13;
	s4 =	sshll.u32 s31, $0x2  }
0x144: {  	s9 =	sand.u32 $0xFFFFFE00, s11;
	s19 =	sshll.u32 s17, $0x2;
	s11 =	sor.u32 s14, s15  }
0x145: {  	s14 =	sadd.s32 $0x20, s6;
	s6 =	sadd.s32 $0x30, s6;
	s17 =	sand.u32 $0x7F, s16  }
0x146: {  	s4 =	sor.u32 s4, s13;
	s31 =	sand.u32 $0x7F, s0;
	s0 =	sshll.u32 s0, $0x2  }
0x147: {  	v31 =	vld @p0 [tilespmem:s10+$0x180];
	s13 =	sand.u32 $0x7F, s3;
	s3 =	sshll.u32 s3, $0x2;
	s10 =	sshra.s32 s12, $0x2  }
0x148: {  	s19 =	sor.u32 s19, s9;
	s9 =	sshll.u32 s20, $0x2;
	s20 =	sshll.u32 s16, $0x2  }
0x149: {  	s0 =	sand.u32 $0xFFFFFE00, s0;
	s3 =	sand.u32 $0xFFFFFE00, s3;
	s11 =	sshra.s32 s11, $0x2  }
0x14a: {  	s15 =	sor.u32 s9, s8;
	s9 =	sand.u32 $0xFFFFFE00, s20;
	s8 =	sshll.u32 s17, $0x2  }
0x14b: {  	s17 =	sand.u32 $0x7F, s14;
	s20 =	sshll.u32 s31, $0x2;
	s31 =	sshll.u32 s14, $0x2  }
0x14c: {  	s12 =	sshra.s32 s19, $0x2;
	s19 =	sshra.s32 s4, $0x2;
	s16 =	sor.u32 s8, s9  }
0x14d: {  	s20 =	sor.u32 s20, s0;
	s9 =	sand.u32 $0x7F, s6;
	s6 =	sshll.u32 s6, $0x2  }
0x14e: {  	s14 =	sand.u32 $0xFFFFFE00, s31;
	s8 =	sshll.u32 s17, $0x2;
	s17 =	sand.u32 $0x7F, s5  }
0x14f: {  	s5 =	sshll.u32 s5, $0x2;
	s31 =	sand.u32 $0x7F, s2;
	s2 =	sshll.u32 s2, $0x2  }
0x150: {  	s6 =	sand.u32 $0xFFFFFE00, s6;
	s0 =	sshll.u32 s9, $0x2;
	s9 =	sor.u32 s8, s14  }
0x151: {  	v30 =	vld.msk [tilespmem:s30+$0x1 ss:$0x0], $0xffff;
	s5 =	sand.u32 $0xFFFFFE00, s5;
	s2 =	sand.u32 $0xFFFFFE00, s2;
	s14 =	sshll.u32 s31, $0x2  }
0x152: {  	v32 =	vld.msk [tilespmem:s30+$0x0 ss:$0x0], $0xffff;
	s31 =	sand.u32 $0x7F, s1;
	s1 =	sshll.u32 s1, $0x2;
	s8 =	sor.u32 s0, s6  }
0x153: {  	v33 =	vld.msk [tilespmem:s30+$0xFFFFFFFF ss:$0x0], $0xffff;
	s6 =	sshll.u32 s17, $0x2;
	s17 =	sshra.s32 s7, $0x2;
	s7 =	sadd.s32 s10, s28  }
0x154: {  	v34 =	vld.msk [tilespmem:s30+$0xFFFFFFFE ss:$0x0], $0xffff;
	s1 =	sand.u32 $0xFFFFFE00, s1;
	s10 =	sshra.s32 s16, $0x2;
	s9 =	sshra.s32 s9, $0x2  }
0x155: {  	s0 =	sor.u32 s6, s5;
	s5 =	sshll.u32 s13, $0x2;
	v36 =	vld [tilespmem:s7+$0x100];
	s4 =	sadd.s32 s10, s28  }
0x156: {  	s6 =	sor.u32 s5, s3;
	s5 =	sor.u32 s14, s2;
	s2 =	sadd.s32 s17, s28;
	v45 =	vld [tilespmem:s4+$0x80]  }
0x157: {  	v10 =	vadd.f32 @p0 v24, v10;
	v11 =	vadd.f32 @p0 v27, v11;
	v19 =	vmul.f32 @p0 v19, v14;
	s13 =	sshll.u32 s31, $0x2;
	s8 =	sshra.s32 s8, $0x2;
	s14 =	sadd.s32 s12, s28;
	v35 =	vld [tilespmem:s2+$0x180]  }
0x158: {  	v13 =	vadd.f32 @p0 v29, v13;
	v12 =	vadd.f32 @p0 v28, v12;
	v14 =	vmul.f32 @p0 v21, v14;
	s31 =	sadd.s32 $0x20, s29;
	s17 =	sshra.s32 s15, $0x2;
	s15 =	sadd.s32 s8, s28;
	v38 =	vld [tilespmem:s14+$0x0]  }
0x159: {  	v10 =	vadd.f32 @p0 v20, v10;
	v11 =	vadd.f32 @p0 v26, v11;
	v20 =	vmul.f32 @p0 v22, v9;
	s1 =	sor.u32 s13, s1;
	s12 =	sshra.s32 s20, $0x2;
	s2 =	sadd.s32 s11, s28;
	v48 =	vld [tilespmem:s15+$0x0]  }
0x15a: {  	v13 =	vadd.f32 @p0 v19, v13;
	v12 =	vadd.f32 @p0 v14, v12;
	v9 =	vmul.f32 @p0 v25, v9;
	s13 =	sand.u32 $0x7F, s31;
	s3 =	sshll.u32 s31, $0x2;
	s30 =	sadd.s32 s17, s28;
	v37 =	vld [tilespmem:s2+$0x80]  }
0x15b: {  	v10 =	vadd.f32 @p0 v17, v10;
	v11 =	vadd.f32 @p0 v18, v11;
	s0 =	sshra.s32 s0, $0x2;
	s11 =	sadd.s32 $0x30, s29;
	s7 =	sadd.s32 s12, s28;
	v43 =	vld [tilespmem:s30+$0x180]  }
0x15c: {  	v13 =	vadd.f32 @p0 v20, v13;
	v9 =	vadd.f32 @p0 v9, v12;
	v12 =	vmul.f32 @p0 v23, v8;
	s14 =	sadd.s32 s9, s28;
	s3 =	sand.u32 $0xFFFFFE00, s3;
	s4 =	sshll.u32 s13, $0x2;
	v46 =	vld [tilespmem:s7+$0x0]  }
0x15d: {  	v8 =	vmul.f32 @p0 v31, v8;
	v10 =	vadd.f32 @p0 v15, v10;
	s0 =	sadd.s32 s0, s28;
	s6 =	sshra.s32 s6, $0x2;
	s5 =	sshra.s32 s5, $0x2;
	v47 =	vld [tilespmem:s14+$0x0]  }
0x15e: {  	v11 =	vadd.f32 @p0 v16, v11;
	v12 =	vadd.f32 @p0 v12, v13;
	s1 =	sshra.s32 s1, $0x2;
	s2 =	sadd.s32 s19, s28;
	s3 =	sor.u32 s4, s3;
	v51 =	vld [tilespmem:s0+$0x80]  }
0x15f: {  	v8 =	vadd.f32 @p0 v8, v9;
	v10 =	vpsel p0, v10, v7;
	s16 =	sand.u32 $0x7F, s11;
	s19 =	sadd.s32 s6, s28;
	v44 =	vld [tilespmem:s2+$0x100];
	s2 =	sshll.u32 s11, $0x2;
	v49 =	vmul.f32 v36, v32  }
0x160: {  	v11 =	vpsel p0, v11, v7;
	s29 =	sadd.s32 s5, s28;
	v54 =	vld [tilespmem:s19+$0x80];
	s20 =	sshll.u32 s16, $0x2;
	s17 =	sand.u32 $0xFFFFFE00, s2;
	v19 =	vmul.f32 v45, v33;
	v50 =	vmul.f32 v35, v30  }
0x161: {  	v12 =	vpsel p0, v12, v7;
	s1 =	sadd.s32 s1, s28;
	v56 =	vld [tilespmem:s29+$0x100];
	s30 =	sshra.s32 s3, $0x2;
	s0 =	sor.u32 s20, s17;
	v52 =	vmul.f32 v38, v34;
	v17 =	vmul.f32 v48, v34  }
0x162: {  	v7 =	vpsel p0, v8, v7;
	v57 =	vld [tilespmem:s1+$0x100];
	s31 =	sadd.s32 s30, s28;
	s0 =	sshra.s32 s0, $0x2;
	v53 =	vmul.f32 v37, v33;
	v9 =	vmul.f32 v46, v34  }
0x163: {  	v58 =	vld [tilespmem:s31+$0x180];
	v24 =	vmul.f32 v43, v30;
	v14 =	vmul.f32 v47, v34;
	s0 =	sadd.s32 s0, s28;
	v10 =	vadd.f32 v52, v10  }
0x164: {  	v55 =	vmul.f32 v44, v32;
	v8 =	vld [tilespmem:s0+$0x180];
	v7 =	vadd.f32 v17, v7;
	v9 =	vadd.f32 v9, v11  }
0x165: {  	v59 =	vmul.f32 v54, v33;
	v11 =	vmul.f32 v51, v33;
	v12 =	vadd.f32 v14, v12  }
0x166: {  	v60 =	vmul.f32 v56, v32;
	v10 =	vadd.f32 v53, v10;
	v9 =	vadd.f32 v19, v9  }
0x167: {  	v61 =	vmul.f32 v57, v32;
	v7 =	vadd.f32 v59, v7;
	v11 =	vadd.f32 v11, v12  }
0x168: {  	v62 =	vmul.f32 v58, v30;
	v10 =	vadd.f32 v49, v10;
	v9 =	vadd.f32 v55, v9  }
0x169: {  	v12 =	vadd.f32 v61, v7;
	v11 =	vadd.f32 v60, v11;
	v63 =	vmul.f32 v8, v30  }
0x16a: {  	v7 =	vadd.f32 v50, v10;
	v8 =	vadd.f32 v24, v9  }
0x16b: {  	v9 =	vadd.f32 v62, v11;
	v10 =	vadd.f32 v63, v12  }
.LBB2_12:
0x16c: {  	s0 =	sshll.u32 s23, $0x8  }
0x16d: {  	s0 =	sand.u32 $0x3FFFFF00, s0  }
0x16e: {  	[tilespmem:s0+$0x6300] =	vst v7  }
0x16f: {  	s1 =	smin.u32 s26, $0x3D;
	[tilespmem:s0+$0x6310] =	vst v8  }
0x170: {  	s1 =	sshll.u32 s1, $0x6;
	[tilespmem:s0+$0x6320] =	vst v9  }
0x171: {  	s2 =	simm.s32 $0x2200;
	[tilespmem:s0+$0x6330] =	vst v10;
	s16 =	sadd.s32 $0x1100, s1  }
0x172: {  	[tilespmem:s2], [sflag:$0x1] =	stream.indirect.gather [hbm4b:s18+s22], $0x80, s16, s22, $0xb8;
	[tilespmem:$0x8300] =	vst v63  }
0x173: {  	s19 =	simm.s32 $0x2100;
	s20 =	simm.s32 $0x2;
	s17 =	sadd.s32 $0x80, s1  }
0x174: {  	[tilespmem:s19], [sflag:$0x1] =	stream.indirect.gather [hbm4b:s21+s22], $0x1, s17, s22, $0xb8;
	[tilespmem:$0x8300] =	vst v63  }
0x175: {  	_ =	swait.ge [sflag:s20], $0x2000  }
0x176: {  	[sflag:s20] =	ssyncset.done $0x0  }
0x177: {  	[sflag:s20] =	ssyncadd.s32 $0xFFFFE000  }
0x178: {  	_ =	swait.ge [sflag:s20], $0x40  }
0x179: {  	[sflag:s20] =	ssyncset.done $0x0  }
0x17a: {  	[sflag:s20] =	ssyncadd.s32 $0xFFFFFFC0  }
0x17b: {  	v7 =	vld [tilespmem:s26+$0x2081]  }
0x17c: {  	v8 =	vld [tilespmem:$0x2180]  }
0x17d: {  	v9 =	vld [tilespmem:$0x2190]  }
0x17e: {  	v10 =	vld [tilespmem:$0x21A0]  }
0x17f: {  	v12 =	vld [tilespmem:$0x21B0]  }
0x180: {  	v11 =	vbroadcast v7, $0x0;
	_ =	sdelay $0x1  }
0x181: {  	vm0 =	vgt.s32 v11, v0;
	vm1 =	vgt.s32 v11, v2  }
0x182: {  	vm2 =	vgt.s32 v11, v3;
	vm3 =	vgt.s32 v11, v4;
	v8 =	vnsel vm0, $0xF149F2CA, v8  }
0x183: {  	v9 =	vnsel vm1, $0xF149F2CA, v9;
	v10 =	vnsel vm2, $0xF149F2CA, v10;
	v11 =	vnsel vm3, $0xF149F2CA, v12  }
0x184: {  	v62 =	vmax.f32 v8, v9;
	v13 =	vmax.f32 v10, v11  }
0x185: {  	v12 =	vmax.f32 v62, v13  }
0x186: {  	(xrf0) =	vmax.scan.msk.f32 $0xffff, v12;
	_ =	sdelay $0x5  }
0x187: {  	v12, _, _ =	vpop (xrf0)  }
0x188: {  	v12 =	vbroadcast v12, $0xF;
	_ =	sdelay $0x1  }
0x189: {  	v8 =	vsub.f32 v8, v12  }
0x18a: {  	v9 =	vsub.f32 v9, v12  }
0x18b: {  	v8 =	vmul.f32 $1.442695020e+00, v8  }
0x18c: {  	v10 =	vsub.f32 v10, v12;
	v9 =	vmul.f32 $1.442695020e+00, v9  }
0x18d: {  	(erf) = vpow2.f32 v8  }
0x18e: {  	v8 =	vmul.f32 $1.442695020e+00, v10;
	(erf) = vpow2.f32 v9;
	v9 =	vsub.f32 v11, v12;
	_ =	sdelay $0x1  }
0x18f: {  	(erf) = vpow2.f32 v8;
	v8 =	vmul.f32 $1.442695020e+00, v9;
	_ =	sdelay $0x1  }
0x190: {  	(erf) = vpow2.f32 v8;
	_ =	sdelay $0x3  }
0x191: {  	v8 =	vpop (erf)  }
0x192: {  	v9 =	vpop (erf)  }
0x193: {  	v8 =	vnsel vm0, $0x0, v8;
	v9 =	vnsel vm1, $0x0, v9  }
0x194: {  	v10 =	vpop (erf);
	v11 =	vadd.f32 v9, v8  }
0x195: {  	v10 =	vnsel vm2, $0x0, v10  }
0x196: {  	v63 =	vpop (erf);
	v11 =	vadd.f32 v11, v10  }
0x197: {  	v12 =	vnsel vm3, $0x0, v63  }
0x198: {  	v11 =	vadd.f32 v11, v12;
	_ =	sdelay $0x1  }
0x199: {  	(xrf2) =	vadd.scan.msk.f32 $0xffff, v11;
	_ =	sdelay $0x9  }
0x19a: {  	v11, _, _ =	vpop (xrf2)  }
0x19b: {  	v11 =	vmax.f32 v11, $9.999999680e-21  }
0x19c: {  	v11 =	vbroadcast v11, $0xF;
	_ =	sdelay $0x1  }
0x19d: {  	(erf) = vrcp.f32 v11;
	_ =	sdelay $0x8  }
0x19e: {  	v11 =	vpop (erf)  }
0x19f: {  	v8 =	vmul.f32 v11, v8;
	_ =	sdelay $0x1  }
0x1a0: {  	[tilespmem:$0x6200] =	vst v8  }
0x1a1: {  	v8 =	vld [tilespmem:s25+$0x0];
	_ =	sdelay $0x3  }
0x1a2: {  	v9 =	vmul.f32 v11, v9  }
0x1a3: {  	vm12 =	vgt.s32 v8, $0xC7FF  }
0x1a4: {  	[tilespmem:$0x6210] =	vst v9;
	v8 =	vsel vm12, $0x40, v5  }
0x1a5: {  	s28 =	sor.u32 $0x50, s25;
	[tilespmem:$0x6280] =	vst v8  }
0x1a6: {  	v8 =	vld [tilespmem:s28+$0x0]  }
0x1a7: {  	(v2sf) =	vpush v7, $0x0;
	_ =	sdelay $0x2  }
0x1a8: {  	v9 =	vmul.f32 v11, v10  }
0x1a9: {  	vm13 =	vgt.s32 v8, $0xC7FF  }
0x1aa: {  	[tilespmem:$0x6220] =	vst v9;
	v8 =	vsel vm13, $0x40, v5  }
0x1ab: {  	s29 =	sor.u32 $0x60, s25;
	[tilespmem:$0x6290] =	vst v8  }
0x1ac: {  	v7 =	vld [tilespmem:s29+$0x0];
	_ =	sdelay $0x3  }
0x1ad: {  	v8 =	vmul.f32 v11, v12  }
0x1ae: {  	vm14 =	vgt.s32 v7, $0xC7FF  }
0x1af: {  	[tilespmem:$0x6230] =	vst v8;
	v7 =	vsel vm14, $0x40, v5  }
0x1b0: {  	s30 =	sor.u32 $0x70, s25;
	[tilespmem:$0x62A0] =	vst v7  }
0x1b1: {  	s31 =	spop (v2sf);
	v7 =	vld [tilespmem:s30+$0x0]  }
0x1b2: {  	s0 =	sadd.s32 $0x3, s31  }
0x1b3: {  	p0 =	sgt.s32 s0, $0x3  }
.Ltmp9:
0x1b4: {  	_ = 	snop;
	(pc) =	sbr.rel @!p0 .LBB2_20-.Ltmp9, $4  }
0x1b5: {  	_ = 	snop  }
0x1b6: {  	vm15 =	vgt.s32 v7, $0xC7FF  }
0x1b7: {  	v7 =	vsel vm15, $0x40, v5  }
0x1b8: {  	v9 =	vimm.f32 $0.0e+00;
	v8 =	vimm.f32 $0.0e+00;
	[tilespmem:$0x62B0] =	vst v7;
	v7 =	vimm.f32 $0.0e+00  }
0x1b9: {  	s0 =	sand.u32 $0xFFFFFFFC, s0  }
0x1ba: {  	s30 =	simm.s32 $0x6282;
	[dreg:$0x5] =	wrdreg s0  }
0x1bb: {  	v7 =	vld [tilespmem:s30+$0x1];
	_ =	sdelay $0x4  }
0x1bc: {  	(v2sf) =	vpush v7, $0x0;
	v7 =	vld [tilespmem:s30+$0x0];
	_ =	sdelay $0x1  }
0x1bd: {  	v8 =	vld [tilespmem:s30+$0xFFFFFFFF];
	_ =	sdelay $0x2  }
0x1be: {  	(v2sf) =	vpush v7, $0x0  }
0x1bf: {  	v9 =	vld [tilespmem:s30+$0xFFFFFFFE]  }
0x1c0: {  	(v2sf) =	vpush v8, $0x0;
	_ =	sdelay $0x3  }
0x1c1: {  	(v2sf) =	vpush v9, $0x0;
	_ =	sdelay $0x1  }
0x1c2: {  	s31 =	rddreg [dreg:$0x5]  }
0x1c3: {  	p1 =	sgt.s32 s31, $0x4  }
.Ltmp10:
0x1c4: {  	_ = 	snop;
	(pc) =	sbr.rel @!p1 .LBB2_14-.Ltmp10, $3  }
0x1c5: {  	_ =	sdelay $0x1  }
0x1c6: {  	s25 =	simm.s32 $0x4200  }
0x1c7: {  	v6 =	vimm.f32 $0.0e+00;
	s28 =	simm.s32 $0x6202;
	p0 =	por $0x0, $0x0;
	s26 =	spop (v2sf)  }
0x1c8: {  	s0 =	spop (v2sf);
	s2 =	sand.u32 $0x7F, s26  }
0x1c9: {  	s14 =	simm.s32 $0x6286;
	s4 =	sshll.u32 s26, $0x2;
	s5 =	sadd.s32 $0x10, s26  }
0x1ca: {  	p0 =	por $0x1, $0x1;
	s29 =	simm.s32 $0x4200;
	s6 =	sand.u32 $0x7F, s0  }
0x1cb: {  	s7 =	sshll.u32 s0, $0x2;
	s8 =	sadd.s32 $0x10, s0;
	s4 =	sand.u32 $0xFFFFFE00, s4  }
0x1cc: {  	s2 =	sshll.u32 s2, $0x2;
	s17 =	sand.u32 $0x7F, s5;
	s5 =	sshll.u32 s5, $0x2  }
0x1cd: {  	s1 =	spop (v2sf);
	s2 =	sor.u32 s2, s4;
	s7 =	sand.u32 $0xFFFFFE00, s7  }
0x1ce: {  	s6 =	sshll.u32 s6, $0x2;
	s18 =	sand.u32 $0x7F, s8;
	s8 =	sshll.u32 s8, $0x2  }
0x1cf: {  	s5 =	sand.u32 $0xFFFFFE00, s5;
	s9 =	sand.u32 $0x7F, s1;
	s10 =	sshll.u32 s1, $0x2  }
0x1d0: {  	s11 =	sadd.s32 $0x10, s1;
	s6 =	sor.u32 s6, s7;
	s8 =	sand.u32 $0xFFFFFE00, s8  }
0x1d1: {  	s22 =	sadd.s32 $0x20, s1;
	s2 =	sshra.s32 s2, $0x2;
	s1 =	sadd.s32 $0x30, s1  }
0x1d2: {  	s10 =	sand.u32 $0xFFFFFE00, s10;
	s9 =	sshll.u32 s9, $0x2;
	s19 =	sand.u32 $0x7F, s11  }
0x1d3: {  	s11 =	sshll.u32 s11, $0x2;
	s6 =	sshra.s32 s6, $0x2;
	s2 =	sadd.s32 $0x4200, s2  }
0x1d4: {  	s25 =	sshll.u32 s22, $0x2;
	s30 =	sand.u32 $0x7F, s22;
	s22 =	simm.s32 $0x6286  }
0x1d5: {  	s9 =	sor.u32 s9, s10;
	s10 =	sshll.u32 s17, $0x2;
	s11 =	sand.u32 $0xFFFFFE00, s11  }
0x1d6: {  	s6 =	sadd.s32 $0x4200, s6;
	s3 =	spop (v2sf);
	s5 =	sor.u32 s10, s5  }
0x1d7: {  	s10 =	sshll.u32 s19, $0x2;
	v10 =	vld [tilespmem:s6+$0x100];
	s9 =	sshra.s32 s9, $0x2;
	s6 =	sshll.u32 s30, $0x2  }
0x1d8: {  	s12 =	sand.u32 $0x7F, s3;
	s13 =	sshll.u32 s3, $0x2;
	s15 =	sadd.s32 $0x10, s3  }
0x1d9: {  	s16 =	sadd.s32 $0x20, s3;
	s3 =	sadd.s32 $0x30, s3;
	s10 =	sor.u32 s10, s11  }
0x1da: {  	s9 =	sadd.s32 $0x4200, s9;
	s5 =	sshra.s32 s5, $0x2;
	s13 =	sand.u32 $0xFFFFFE00, s13  }
0x1db: {  	s12 =	sshll.u32 s12, $0x2;
	s20 =	sand.u32 $0x7F, s15;
	s4 =	sshll.u32 s15, $0x2  }
0x1dc: {  	s21 =	sand.u32 $0x7F, s16;
	s7 =	sshll.u32 s16, $0x2;
	s23 =	sshll.u32 s3, $0x2  }
0x1dd: {  	s3 =	sand.u32 $0x7F, s3;
	s5 =	sadd.s32 $0x4200, s5;
	s15 =	sadd.s32 $0x20, s0  }
0x1de: {  	s16 =	sand.u32 $0x7F, s1;
	s1 =	sshll.u32 s1, $0x2;
	s0 =	sadd.s32 $0x30, s0  }
0x1df: {  	s12 =	sor.u32 s12, s13;
	s13 =	sshll.u32 s18, $0x2;
	s4 =	sand.u32 $0xFFFFFE00, s4  }
0x1e0: {  	v8 =	vld.msk [tilespmem:s28+$0x0 ss:$0x0], $0xffff;
	s7 =	sand.u32 $0xFFFFFE00, s7;
	s11 =	sshll.u32 s21, $0x2;
	s3 =	sshll.u32 s3, $0x2  }
0x1e1: {  	v7 =	vld [tilespmem:s14+$0x1];
	s1 =	sand.u32 $0xFFFFFE00, s1;
	s17 =	sand.u32 $0x7F, s15;
	s19 =	sand.u32 $0x7F, s0  }
0x1e2: {  	v19 =	vld [tilespmem:s14+$0x0];
	s0 =	sshll.u32 s0, $0x2;
	s8 =	sor.u32 s13, s8;
	s13 =	sshll.u32 s20, $0x2  }
0x1e3: {  	v13 =	vld.msk [tilespmem:s28+$0xFFFFFFFF ss:$0x0], $0xffff;
	s7 =	sor.u32 s11, s7;
	s11 =	sand.u32 $0xFFFFFE00, s23;
	s31 =	sshra.s32 s12, $0x2  }
0x1e4: {  	v21 =	vld [tilespmem:s14+$0xFFFFFFFF];
	s12 =	sadd.s32 $0x30, s26;
	s0 =	sand.u32 $0xFFFFFE00, s0;
	s4 =	sor.u32 s13, s4  }
0x1e5: {  	v11 =	vld [tilespmem:s9+$0x80];
	s24 =	sor.u32 s3, s11;
	s3 =	sand.u32 $0xFFFFFE00, s25;
	s9 =	sadd.s32 $0x4200, s31  }
0x1e6: {  	v25 =	vld [tilespmem:s14+$0xFFFFFFFE];
	(v2sf) =	vpush v7, $0x0;
	s11 =	sadd.s32 $0x20, s26;
	s8 =	sshra.s32 s8, $0x2;
	s13 =	sshra.s32 s10, $0x2  }
0x1e7: {  	(v2sf) =	vpush v19, $0x0;
	v15 =	vld [tilespmem:s5+$0x180];
	s7 =	sshra.s32 s7, $0x2;
	s20 =	sand.u32 $0x7F, s12;
	s5 =	sshll.u32 s12, $0x2  }
0x1e8: {  	v9 =	vld [tilespmem:s2+$0x180];
	s3 =	sor.u32 s6, s3;
	s8 =	sadd.s32 $0x4200, s8;
	s4 =	sshra.s32 s4, $0x2  }
0x1e9: {  	(v2sf) =	vpush v21, $0x0;
	v12 =	vld [tilespmem:s9+$0x0];
	s9 =	sadd.s32 $0x4200, s13;
	s7 =	sadd.s32 $0x4200, s7;
	s18 =	sand.u32 $0x7F, s11  }
0x1ea: {  	v7 =	vld.msk [tilespmem:s28+$0x1 ss:$0x0], $0xffff;
	s6 =	sshll.u32 s11, $0x2;
	s2 =	sshra.s32 s24, $0x2;
	s5 =	sand.u32 $0xFFFFFE00, s5  }
0x1eb: {  	s24 =	rddreg [dreg:$0x5];
	v17 =	vld [tilespmem:s8+$0x100];
	s4 =	sadd.s32 $0x4200, s4;
	s8 =	sshll.u32 s15, $0x2  }
0x1ec: {  	v27 =	vld [tilespmem:s7+$0x0];
	s7 =	sshll.u32 s17, $0x2;
	s6 =	sand.u32 $0xFFFFFE00, s6;
	s2 =	sadd.s32 $0x4200, s2  }
0x1ed: {  	(v2sf) =	vpush v25, $0x0;
	s3 =	sshra.s32 s3, $0x2;
	p1 =	sgt.s32 s24, $0x8;
	v24 =	vld [tilespmem:s4+$0x0];
	s4 =	sshll.u32 s16, $0x2  }
0x1ee: {  	v29 =	vld.msk [tilespmem:s28+$0xFFFFFFFE ss:$0x0], $0xffff;
	s8 =	sand.u32 $0xFFFFFE00, s8;
	s3 =	sadd.s32 $0x4200, s3;
	s1 =	sor.u32 s4, s1  }
0x1ef: {  	v22 =	vld [tilespmem:s9+$0x80];
	s7 =	sor.u32 s7, s8;
	s8 =	sshll.u32 s19, $0x2;
	s4 =	sshll.u32 s18, $0x2  }
0x1f0: {  	v30 =	vld [tilespmem:s2+$0x0];
	s0 =	sor.u32 s8, s0;
	s8 =	sshll.u32 s20, $0x2;
	s1 =	sshra.s32 s1, $0x2  }
.Ltmp11:
0x1f1: {  	v16 =	vmul.f32 v10, v8;
	v14 =	vmul.f32 v9, v7;
	v18 =	vld [tilespmem:s3+$0x80];
	s25 =	sshra.s32 s7, $0x2;
	s1 =	sadd.s32 $0x4200, s1;
	(pc) =	sbr.rel @!p1 .LBB2_16-.Ltmp11, $4  }
0x1f2: {  	v9 =	vimm.f32 $0.0e+00;
	v19 =	vmul.f32 v11, v13;
	v15 =	vmul.f32 v15, v7;
	s21 =	sor.u32 s4, s6;
	s0 =	sshra.s32 s0, $0x2;
	s26 =	sadd.s32 $0x4200, s25;
	v20 =	vld [tilespmem:s1+$0x80]  }
0x1f3: {  	v10 =	vimm.f32 $0.0e+00;
	s23 =	sor.u32 s8, s5;
	v23 =	vmul.f32 v12, v29;
	s28 =	sshra.s32 s21, $0x2;
	v17 =	vmul.f32 v17, v8;
	s0 =	sadd.s32 $0x4200, s0;
	v21 =	vld [tilespmem:s26+$0x100]  }
0x1f4: {  	v11 =	vimm.f32 $0.0e+00;
	s6 =	simm.s32 $0x8;
	v25 =	vmul.f32 v22, v13;
	s30 =	sshra.s32 s23, $0x2;
	s31 =	sadd.s32 $0x4200, s28;
	v26 =	vmul.f32 v24, v29;
	v24 =	vld [tilespmem:s0+$0x100]  }
0x1f5: {  	v12 =	vimm.f32 $0.0e+00;
	v28 =	vmul.f32 v27, v29;
	v27 =	vmul.f32 v30, v29;
	s10 =	sadd.s32 $0x4200, s30;
	v22 =	vld [tilespmem:s31+$0x180];
	s0 =	simm.s32 $0x6202;
	s26 =	spop (v2sf)  }
.LBB2_17:
0x1f6: {  	s6 =	sadd.s32 $0x4, s6;
	s1 =	rddreg [dreg:$0x5]  }
0x1f7: {  	s29 =	sadd.s32 $0x200, s29;
	s0 =	sadd.s32 $0x4, s0;
	s4 =	sand.u32 $0x7F, s26  }
0x1f8: {  	s11 =	sadd.s32 $0x4, s22;
	s28 =	sshll.u32 s26, $0x2;
	s7 =	sadd.s32 $0x10, s26  }
0x1f9: {  	s8 =	sadd.s32 $0x20, s26;
	s31 =	sadd.s32 $0x30, s26;
	[dreg:$0x7] =	wrdreg s6  }
0x1fa: {  	[dreg:$0x9] =	wrdreg s1;
	s6 =	sand.u32 $0xFFFFFE00, s28;
	s4 =	sshll.u32 s4, $0x2  }
0x1fb: {  	s22 =	sand.u32 $0x7F, s7;
	s7 =	sshll.u32 s7, $0x2;
	s26 =	sand.u32 $0x7F, s8  }
0x1fc: {  	s8 =	sshll.u32 s8, $0x2;
	s23 =	sand.u32 $0x7F, s31;
	s1 =	sshll.u32 s31, $0x2  }
0x1fd: {  	[dreg:$0x13] =	wrdreg s23;
	s6 =	sor.u32 s4, s6;
	s4 =	sand.u32 $0xFFFFFE00, s7  }
0x1fe: {  	s7 =	sshll.u32 s22, $0x2;
	s8 =	sand.u32 $0xFFFFFE00, s8;
	s26 =	sshll.u32 s26, $0x2  }
0x1ff: {  	s1 =	sand.u32 $0xFFFFFE00, s1;
	[dreg:$0xc] =	wrdreg s8;
	s4 =	sor.u32 s7, s4  }
0x200: {  	[dreg:$0xb] =	wrdreg s1;
	s6 =	sshra.s32 s6, $0x2;
	s4 =	sshra.s32 s4, $0x2  }
0x201: {  	s6 =	sadd.s32 s6, s29;
	s4 =	sadd.s32 s4, s29;
	s2 =	spop (v2sf)  }
0x202: {  	s3 =	spop (v2sf);
	s9 =	sand.u32 $0x7F, s2;
	s30 =	sshll.u32 s2, $0x2  }
0x203: {  	s12 =	sadd.s32 $0x10, s2;
	s13 =	sadd.s32 $0x20, s2;
	s2 =	sadd.s32 $0x30, s2  }
0x204: {  	s5 =	spop (v2sf);
	s14 =	sand.u32 $0x7F, s3;
	s15 =	sshll.u32 s3, $0x2  }
0x205: {  	s16 =	sadd.s32 $0x10, s3;
	s18 =	sadd.s32 $0x20, s3;
	s3 =	sadd.s32 $0x30, s3  }
0x206: {  	s31 =	sand.u32 $0xFFFFFE00, s30;
	s9 =	sshll.u32 s9, $0x2;
	s24 =	sand.u32 $0x7F, s12  }
0x207: {  	v9 =	vadd.f32 v23, v9;
	v23 =	vld [tilespmem:s10+$0x180];
	s23 =	sshll.u32 s12, $0x2;
	s10 =	sand.u32 $0x7F, s13;
	s13 =	sshll.u32 s13, $0x2  }
0x208: {  	s25 =	sand.u32 $0x7F, s2;
	s2 =	sshll.u32 s2, $0x2;
	s17 =	sand.u32 $0x7F, s5  }
0x209: {  	s19 =	sshll.u32 s5, $0x2;
	s20 =	sadd.s32 $0x10, s5;
	s21 =	sadd.s32 $0x20, s5  }
0x20a: {  	s5 =	sadd.s32 $0x30, s5;
	s15 =	sand.u32 $0xFFFFFE00, s15;
	s14 =	sshll.u32 s14, $0x2  }
0x20b: {  	s12 =	sand.u32 $0x7F, s16;
	s16 =	sshll.u32 s16, $0x2;
	s28 =	sand.u32 $0x7F, s18  }
0x20c: {  	s18 =	sshll.u32 s18, $0x2;
	s31 =	sor.u32 s9, s31;
	s23 =	sand.u32 $0xFFFFFE00, s23  }
0x20d: {  	s9 =	sshll.u32 s24, $0x2;
	s24 =	sand.u32 $0xFFFFFE00, s13;
	s8 =	sshll.u32 s10, $0x2  }
0x20e: {  	s13 =	sand.u32 $0xFFFFFE00, s2;
	s10 =	sshll.u32 s25, $0x2;
	[dreg:$0x17] =	wrdreg s28  }
0x20f: {  	s28 =	sand.u32 $0x7F, s3;
	s19 =	sand.u32 $0xFFFFFE00, s19;
	s17 =	sshll.u32 s17, $0x2  }
0x210: {  	v10 =	vadd.f32 v26, v10;
	s3 =	sshll.u32 s3, $0x2;
	s30 =	sand.u32 $0x7F, s21;
	s21 =	sshll.u32 s21, $0x2  }
0x211: {  	v9 =	vadd.f32 v19, v9;
	s14 =	sor.u32 s14, s15;
	s15 =	sand.u32 $0xFFFFFE00, s16;
	[dreg:$0x12] =	wrdreg s19  }
0x212: {  	v10 =	vadd.f32 v25, v10;
	s16 =	sshll.u32 s12, $0x2;
	s12 =	sand.u32 $0xFFFFFE00, s18;
	[dreg:$0x16] =	wrdreg s17  }
0x213: {  	v11 =	vadd.f32 v27, v11;
	v9 =	vadd.f32 v16, v9;
	s17 =	sand.u32 $0x7F, s20;
	s20 =	sshll.u32 s20, $0x2;
	s19 =	sand.u32 $0x7F, s5  }
0x214: {  	v18 =	vmul.f32 v18, v13;
	v13 =	vmul.f32 v20, v13;
	v10 =	vadd.f32 v17, v10;
	v16 =	vld [tilespmem:s11+$0xFFFFFFFF];
	s5 =	sshll.u32 s5, $0x2;
	s22 =	rddreg [dreg:$0x17];
	s2 =	sand.u32 $0xFFFFFE00, s3  }
0x215: {  	v19 =	vmul.f32 v21, v8;
	v9 =	vadd.f32 v14, v9;
	v14 =	vld [tilespmem:s11+$0x1];
	s14 =	sshra.s32 s14, $0x2;
	s16 =	sor.u32 s16, s15;
	[dreg:$0xf] =	wrdreg s19  }
0x216: {  	v8 =	vmul.f32 v24, v8;
	v11 =	vadd.f32 v13, v11;
	v10 =	vadd.f32 v15, v10;
	v15 =	vld [tilespmem:s11+$0x0];
	s19 =	rddreg [dreg:$0x13];
	s18 =	sshll.u32 s22, $0x2;
	s22 =	smov.u32 s11  }
0x217: {  	v17 =	vld [tilespmem:s11+$0xFFFFFFFE];
	s25 =	rddreg [dreg:$0x12];
	s17 =	sshll.u32 s17, $0x2;
	s5 =	sand.u32 $0xFFFFFE00, s5  }
0x218: {  	v13 =	vmul.f32 v22, v7;
	v7 =	vmul.f32 v23, v7;
	v22 =	vld.msk [tilespmem:s0+$0xFFFFFFFE ss:$0x0], $0xffff;
	v8 =	vadd.f32 v8, v11;
	s1 =	sshll.u32 s19, $0x2;
	s19 =	sand.u32 $0xFFFFFE00, s20;
	s20 =	sand.u32 $0xFFFFFE00, s21  }
0x219: {  	v12 =	vadd.f32 v28, v12;
	v24 =	vld [tilespmem:s4+$0x180];
	s21 =	sshll.u32 s30, $0x2;
	s30 =	sshra.s32 s31, $0x2;
	s31 =	rddreg [dreg:$0xf]  }
0x21a: {  	v11 =	vadd.f32 v7, v8;
	v7 =	vld.msk [tilespmem:s0+$0x1 ss:$0x0], $0xffff;
	(v2sf) =	vpush v14, $0x0;
	s11 =	sadd.s32 s14, s29;
	s14 =	sor.u32 s9, s23;
	[dreg:$0xd] =	wrdreg s1  }
0x21b: {  	v12 =	vadd.f32 v18, v12;
	v14 =	vld [tilespmem:s6+$0x180];
	(v2sf) =	vpush v15, $0x0;
	s6 =	sshra.s32 s14, $0x2;
	s1 =	sshll.u32 s28, $0x2;
	s28 =	rddreg [dreg:$0x16]  }
0x21c: {  	v8 =	vld.msk [tilespmem:s0+$0x0 ss:$0x0], $0xffff;
	(v2sf) =	vpush v16, $0x0;
	s23 =	sor.u32 s17, s19;
	s6 =	sadd.s32 s6, s29;
	s3 =	sor.u32 s28, s25  }
0x21d: {  	v12 =	vadd.f32 v19, v12;
	s28 =	sshll.u32 s31, $0x2;
	s25 =	sadd.s32 s30, s29;
	(v2sf) =	vpush v17, $0x0;
	v17 =	vld [tilespmem:s11+$0x80];
	s30 =	sor.u32 s21, s20  }
0x21e: {  	v21 =	vld [tilespmem:s6+$0x100];
	s6 =	rddreg [dreg:$0x7];
	s11 =	sor.u32 s18, s12;
	s1 =	sor.u32 s1, s2  }
0x21f: {  	v12 =	vadd.f32 v13, v12;
	v13 =	vld.msk [tilespmem:s0+$0xFFFFFFFF ss:$0x0], $0xffff;
	s18 =	sor.u32 s10, s13;
	s21 =	rddreg [dreg:$0xc];
	s3 =	sshra.s32 s3, $0x2  }
0x220: {  	v15 =	vld [tilespmem:s25+$0x100];
	s25 =	sshra.s32 s23, $0x2;
	s31 =	sshra.s32 s30, $0x2;
	s3 =	sadd.s32 s3, s29  }
0x221: {  	s5 =	sor.u32 s28, s5;
	s14 =	sshra.s32 s11, $0x2;
	s4 =	sadd.s32 s25, s29;
	v19 =	vld [tilespmem:s3+$0x0]  }
0x222: {  	s1 =	sshra.s32 s1, $0x2;
	s7 =	sadd.s32 s31, s29;
	s9 =	sshra.s32 s5, $0x2;
	v26 =	vld [tilespmem:s4+$0x0]  }
0x223: {  	s20 =	sshra.s32 s18, $0x2;
	s3 =	sshra.s32 s16, $0x2;
	v27 =	vld [tilespmem:s7+$0x0];
	s12 =	sadd.s32 s9, s29  }
0x224: {  	s28 =	rddreg [dreg:$0x9];
	s15 =	sadd.s32 s14, s29;
	s3 =	sadd.s32 s3, s29;
	v29 =	vld [tilespmem:s12+$0x0]  }
0x225: {  	s1 =	sadd.s32 s1, s29;
	s23 =	sadd.s32 s20, s29;
	p1 =	slt.s32 s6, s28;
	v25 =	vld [tilespmem:s3+$0x80]  }
.Ltmp12:
0x226: {  	v14 =	vmul.f32 v14, v7;
	s25 =	rddreg [dreg:$0xb];
	s16 =	sor.u32 s8, s24;
	v18 =	vld [tilespmem:s15+$0x80];
	v16 =	vmul.f32 v15, v8;
	(pc) =	sbr.rel @p1 .LBB2_17-.Ltmp12, $4  }
0x227: {  	v20 =	vld [tilespmem:s1+$0x80];
	s17 =	sshra.s32 s16, $0x2;
	s3 =	sor.u32 s26, s21;
	s26 =	rddreg [dreg:$0xd];
	v15 =	vmul.f32 v24, v7;
	v23 =	vmul.f32 v19, v22  }
0x228: {  	s19 =	sadd.s32 s17, s29;
	s24 =	sshra.s32 s3, $0x2;
	s3 =	sor.u32 s26, s25;
	v24 =	vld [tilespmem:s23+$0x100];
	v19 =	vmul.f32 v17, v13;
	v17 =	vmul.f32 v21, v8  }
0x229: {  	s30 =	sadd.s32 s24, s29;
	s31 =	sshra.s32 s3, $0x2;
	v21 =	vld [tilespmem:s19+$0x100];
	v26 =	vmul.f32 v26, v22;
	v28 =	vmul.f32 v27, v22  }
0x22a: {  	s10 =	sadd.s32 s31, s29;
	v27 =	vmul.f32 v29, v22;
	v22 =	vld [tilespmem:s30+$0x180];
	v25 =	vmul.f32 v25, v13;
	s26 =	spop (v2sf)  }
.Ltmp13:
0x22b: {  	(pc) =	sbr.rel .LBB2_19-.Ltmp13, $4  }
0x22c: {  	s18 =	rddreg [dreg:$0x18]  }
0x22d: {  	s21 =	rddreg [dreg:$0x19]  }
0x22e: {  	s22 =	simm.s32 $0x40;
	s23 =	rddreg [dreg:$0x1f]  }
0x22f: {  	s24 =	sld [smem:$0x7FD];
	s25 =	simm.s32 $0x4200;
	s28 =	simm.s32 $0x6202  }
.LBB2_6:
.Ltmp14:
0x230: {  	(pc) =	sbr.rel .LBB2_11-.Ltmp14, $3  }
0x231: {  	_ =	sdelay $0x1  }
0x232: {  	v10 =	vimm.f32 $0.0e+00  }
0x233: {  	v11 =	vimm.f32 $0.0e+00;
	v13 =	vimm.f32 $0.0e+00;
	v12 =	vimm.f32 $0.0e+00;
	s31 =	simm.s32 $0x2200;
	s0 =	simm.s32 $0x6202  }
.LBB2_8:
0x234: {  	s18 =	rddreg [dreg:$0x18]  }
.Ltmp15:
0x235: {  	s21 =	rddreg [dreg:$0x19];
	(pc) =	sbr.rel .LBB2_11-.Ltmp15, $4  }
0x236: {  	s23 =	rddreg [dreg:$0x1f]  }
0x237: {  	s24 =	sld [smem:$0x7FD]  }
0x238: {  	v10 =	vimm.f32 $0.0e+00;
	s31 =	simm.s32 $0x2200;
	s0 =	simm.s32 $0x6202;
	s25 =	sld [smem:$0x7FC]  }
0x239: {  	v11 =	vimm.f32 $0.0e+00;
	v13 =	vimm.f32 $0.0e+00;
	v12 =	vimm.f32 $0.0e+00;
	s22 =	simm.s32 $0x40;
	s26 =	sld [smem:$0x7FB];
	s28 =	simm.s32 $0x2200  }
.LBB2_16:
.Ltmp16:
0x23a: {  	(pc) =	sbr.rel .LBB2_19-.Ltmp16, $4  }
0x23b: {  	s18 =	rddreg [dreg:$0x18]  }
0x23c: {  	s29 =	simm.s32 $0x4200;
	s21 =	rddreg [dreg:$0x19]  }
0x23d: {  	v9 =	vimm.f32 $0.0e+00;
	s0 =	simm.s32 $0x6202;
	s22 =	simm.s32 $0x40;
	s23 =	rddreg [dreg:$0x1f]  }
0x23e: {  	v10 =	vimm.f32 $0.0e+00;
	v12 =	vimm.f32 $0.0e+00;
	v11 =	vimm.f32 $0.0e+00;
	s24 =	sld [smem:$0x7FD];
	s25 =	simm.s32 $0x4200;
	s28 =	simm.s32 $0x6202  }
.LBB2_22:
0x23f: {  	_ =	sfence.sel $0x180000  }
0x240: {  	[bflag:$0x0] =	sbarrier.arrive $0xFFFF  }
0x241: {  	_ =	strace $0x90000047  }
0x242: {  	s0 =	stileid.u32;
	[bflag:$0x2] =	sbarrier.arrive $0xFFFF  }
0x243: {  	p0 =	sne.s32 s0, $0x0;
	s0 =	rddreg [dreg:$0x3]  }
0x244: {  	s0 =	sadd.s32 @!p0 $0x100000, s0  }
0x245: {  	[sflag:s0] =	ssyncadd.tile.s32 @!p0 $0x1;
	_ =	shalt  }
.Lfunc_end2:
_tile_overlayer_lowered:
.L_overlay_start_2:
0x246: {  	(tag) =	ssettag $0x2  }
0x247: {  	s0 =	rddreg [dreg:$0x0];
	s2 =	stileid.u32  }
0x248: {  	s1 =	rddreg [dreg:$0x1];
	p0 =	sne.s32 s2, $0x0  }
0x249: {  	s3 =	rddreg [dreg:$0x2];
	[bflag:$0x3] =	sbarrier.arrive $0xFFFF;
	s2 =	simm.s32 @!p0 $0x1C03  }
0x24a: {  	[timem:s3], [sflag:s2] =	dma.local @!p0 [hbm:s0], s1  }
0x24b: {  	s0 =	simm.s32 @!p0 $0x3  }
0x24c: {  	_ =	swait.ge @!p0 [sflag:s0], s1  }
0x24d: {  	s1 =	ssub.s32 @!p0 $0x0, s1;
	[sflag:s0] =	ssyncset.done @!p0 $0x0  }
0x24e: {  	[sflag:s0] =	ssyncadd.s32 @!p0 s1  }
0x24f: {  	[bflag:$0x3] =	sbarrier.arrive $0xFFFF  }
0x250: {  	_ =	shalt  }

</sc_bundles>
